<compile_context>
chip_gen: v7x
topology: tpu7x:2x2x1
jax: 0.10.2.dev20260603
libtpu: 0.0.44.dev20260713+nightly
codegen_flags: <defaults>
</compile_context>

<pallas_src>
import functools

import jax
import jax.numpy as jnp
from jax import lax
from jax.experimental import pallas as pl
from jax.experimental.pallas import tpu as pltpu
from jax.experimental.pallas import tpu_sc as plsc

B, H, W, C = 32, 512, 512, 3
NBINS = 256
HW = H * W
_W0, _W1, _W2 = 0.29882812, 0.5859375, 0.11376953

_NC, _NS = 2, 16
_G = 32768
_NCH = HW // _G


def _b16(v):
    u = lax.bitcast_convert_type(v, jnp.int32)
    lsb = lax.shift_right_logical(u, 16) & 1
    r = (u + 0x7FFF + lsb) & jnp.int32(-65536)
    return lax.bitcast_convert_type(r, jnp.float32)


def _gray_body(x_ref, gray_ref, mn_ref, mx_ref):
    r = x_ref[0, 0]
    g = x_ref[0, 1]
    bl = x_ref[0, 2]
    y = (_b16(r) * jnp.float32(_W0) + _b16(g) * jnp.float32(_W1)
         + _b16(bl) * jnp.float32(_W2))
    gray_ref[0] = y
    mn_ref[0] = jnp.broadcast_to(jnp.min(y), (8, 128))
    mx_ref[0] = jnp.broadcast_to(jnp.max(y), (8, 128))


def _gray_stage(xt):
    return pl.pallas_call(
        _gray_body,
        grid=(B,),
        in_specs=[pl.BlockSpec((1, C, H, W), lambda i: (i, 0, 0, 0))],
        out_specs=[
            pl.BlockSpec((1, H, W), lambda i: (i, 0, 0)),
            pl.BlockSpec((1, 8, 128), lambda i: (i, 0, 0)),
            pl.BlockSpec((1, 8, 128), lambda i: (i, 0, 0)),
        ],
        out_shape=[
            jax.ShapeDtypeStruct((B, H, W), jnp.float32),
            jax.ShapeDtypeStruct((B, 8, 128), jnp.float32),
            jax.ShapeDtypeStruct((B, 8, 128), jnp.float32),
        ],
    )(xt)


def _sc_hist_body(gray_hbm, gmn_hbm, scale_hbm, hist_hbm,
                  g0, g1, subh, histv, mn_v, sc_v, sem0, sem1):
    wid = lax.axis_index("s") * _NC + lax.axis_index("c")
    base_g = wid * HW

    pltpu.sync_copy(gmn_hbm.at[pl.ds(wid * 16, 16)], mn_v)
    pltpu.sync_copy(scale_hbm.at[pl.ds(wid * 16, 16)], sc_v)
    gmn_v = mn_v[...]
    scale_v = sc_v[...]

    iota = lax.broadcasted_iota(jnp.int32, (16,), 0)
    _STRIDE = 273
    _TBL = 16 * _STRIDE
    bases = [iota * _STRIDE + t * _TBL for t in range(4)]
    ones16 = jnp.ones((16,), jnp.float32)
    zeros16 = jnp.zeros((16,), jnp.float32)

    def zbody(j, _):
        subh[pl.ds(j * 16, 16)] = zeros16
        return 0
    lax.fori_loop(0, (4 * _TBL + 16) // 16, zbody, 0)

    gbs = (g0, g1)
    sems = (sem0, sem1)
    pltpu.async_copy(gray_hbm.at[pl.ds(base_g, _G)], g0, sem0)
    pltpu.async_copy(gray_hbm.at[pl.ds(base_g + _G, _G)], g1, sem1)

    @pl.loop(0, _NCH, step=2)
    def p2(ci):
        for b in range(2):
            cur = ci + b
            gb, sin = gbs[b], sems[b]
            pltpu.make_async_copy(
                gray_hbm.at[pl.ds(base_g + cur * _G, _G)], gb, sin).wait()

            def jbody(k, _, gb=gb):
                for u in range(8):
                    gy = gb[pl.ds(k * 128 + u * 16, 16)]
                    t = (gy - gmn_v) * scale_v
                    bi = jnp.minimum(t.astype(jnp.int32), NBINS - 1)
                    plsc.addupdate_scatter(subh, [bases[u % 4] + bi], ones16)
                return 0
            lax.fori_loop(0, _G // 128, jbody, 0)

            @pl.when(cur + 2 < _NCH)
            def _(gb=gb, sin=sin, cur=cur):
                pltpu.async_copy(
                    gray_hbm.at[pl.ds(base_g + (cur + 2) * _G, _G)], gb, sin)

    def rbody(j, _):
        acc = subh[pl.ds(j * 16, 16)]
        for t in range(4):
            for l in range(16):
                if t == 0 and l == 0:
                    continue
                acc = acc + subh[pl.ds(t * _TBL + l * _STRIDE + j * 16, 16)]
        histv[pl.ds(j * 16, 16)] = acc
        return 0
    lax.fori_loop(0, NBINS // 16, rbody, 0)
    pltpu.sync_copy(histv, hist_hbm.at[pl.ds(wid * NBINS, NBINS)])


def _sc_hist_stage(gray_flat, gmn_flat, scale_flat):
    mesh = plsc.VectorSubcoreMesh(core_axis_name="c", subcore_axis_name="s")
    kern = functools.partial(
        pl.kernel,
        mesh=mesh,
        compiler_params=pltpu.CompilerParams(needs_layout_passes=False),
        out_type=jax.ShapeDtypeStruct((B * NBINS,), jnp.float32),
        scratch_types=[
            pltpu.VMEM((_G,), jnp.float32),
            pltpu.VMEM((_G,), jnp.float32),
            pltpu.VMEM((4 * 16 * 273 + 16,), jnp.float32),
            pltpu.VMEM((NBINS,), jnp.float32),
            pltpu.VMEM((16,), jnp.float32),
            pltpu.VMEM((16,), jnp.float32),
            pltpu.SemaphoreType.DMA,
            pltpu.SemaphoreType.DMA,
        ],
    )(_sc_hist_body)
    return kern(gray_flat, gmn_flat, scale_flat)


def _otsu_body(hist_ref, cen_ref, thr_ref):
    hist = hist_ref[...]
    centers = cen_ref[...]
    iota_i = lax.broadcasted_iota(jnp.int32, (B, NBINS), 1)
    wc = hist * centers

    def cumsum(x):
        k = 1
        while k < NBINS:
            pad = jnp.zeros((B, k), jnp.float32)
            x = x + jnp.concatenate([pad, x[:, :NBINS - k]], axis=1)
            k *= 2
        return x

    w1 = cumsum(hist)
    c1 = cumsum(wc)
    total_w = w1[:, NBINS - 1:]
    total_c = c1[:, NBINS - 1:]
    w2p = total_w - w1
    m1 = c1 / jnp.maximum(w1, 1e-12)
    m2 = (total_c - c1) / jnp.maximum(w2p, 1e-12)
    var12 = w1 * w2p * (m1 - m2) ** 2
    var12 = jnp.where(iota_i < NBINS - 1, var12, jnp.float32(-1.0))
    vmax = jnp.max(var12, axis=1, keepdims=True)
    idx = jnp.min(jnp.where(var12 == vmax, iota_i, NBINS), axis=1,
                  keepdims=True)
    thr = jnp.sum(jnp.where(iota_i == idx, centers, 0.0), axis=1,
                  keepdims=True)
    thr_ref[:, :, :] = jnp.broadcast_to(thr[:, None, :], (B, 8, 128))


def _otsu_stage(hist, centers):
    return pl.pallas_call(
        _otsu_body,
        out_shape=jax.ShapeDtypeStruct((B, 8, 128), jnp.float32),
    )(hist, centers)


def _binarize_body(gray_ref, thr_ref, out_ref):
    thr = thr_ref[0, 0, 0]
    y = jnp.where(gray_ref[0] > thr, jnp.float32(255.0), jnp.float32(0.0))
    out_ref[0, 0] = y
    out_ref[0, 1] = y
    out_ref[0, 2] = y


def _binarize_stage(gray, thr):
    return pl.pallas_call(
        _binarize_body,
        grid=(B,),
        in_specs=[
            pl.BlockSpec((1, H, W), lambda i: (i, 0, 0)),
            pl.BlockSpec((1, 8, 128), lambda i: (i, 0, 0)),
        ],
        out_specs=pl.BlockSpec((1, C, H, W), lambda i: (i, 0, 0, 0)),
        out_shape=jax.ShapeDtypeStruct((B, C, H, W), jnp.float32),
    )(gray, thr)


def kernel(inputs):
    xt = jnp.transpose(inputs, (0, 3, 1, 2))
    gray, mn, mx = _gray_stage(xt)
    gmn32 = mn[:, 0, 0]
    gmx32 = mx[:, 0, 0]
    scale32 = NBINS / jnp.maximum(gmx32 - gmn32, 1e-12)
    gmn_flat = jnp.broadcast_to(gmn32[:, None], (B, 16)).reshape(-1)
    scale_flat = jnp.broadcast_to(scale32[:, None], (B, 16)).reshape(-1)
    grayv = gray.reshape(B, H // 8, 8, W // 128, 128).transpose(
        0, 1, 3, 2, 4).reshape(-1)
    hist = _sc_hist_stage(grayv, gmn_flat, scale_flat)
    hist = hist.reshape(B, NBINS)
    centers = gmn32[:, None] + (
        jnp.arange(NBINS, dtype=jnp.float32)[None, :] + 0.5) / scale32[:, None]
    thr = _otsu_stage(hist, centers)
    out4 = _binarize_stage(gray, thr)
    return jnp.transpose(out4, (0, 2, 3, 1))

# --- scband reference (transcript-rebuilt; emitter-appended) ---
"""Pipeline reference for scband-otsu-threshold-layer-8873402433666 (READ-ONLY COPY).

The authoritative reference and input builder live on the scoring server;
editing this copy changes nothing except your own understanding.
"""

import jax, jax.numpy as jnp
import numpy as np

NUM_BINS = 256


def setup_inputs(seed: int = 0) -> dict:
    key = jax.random.key(seed)
    inputs = jax.random.uniform(key, (32, 512, 512, 3), dtype=jnp.float32)
    return {"inputs": inputs}


def reference(inputs):
    # tf.image.rgb_to_grayscale: ITU-R 601 luma weights
    w = jnp.array([0.2989, 0.587, 0.114], dtype=inputs.dtype)
    gray = jnp.tensordot(inputs, w, axes=[[-1], [0]])  # [B, H, W]
    B = gray.shape[0]
    flat = gray.reshape(B, -1)

    # skimage-style threshold_otsu: 256-bin histogram over [min, max] per image
    gmin = jnp.min(flat, axis=1, keepdims=True)  # [B,1]
    gmax = jnp.max(flat, axis=1, keepdims=True)  # [B,1]
    scale = NUM_BINS / jnp.maximum(gmax - gmin, 1e-12)  # [B,1]
    bin_idx = jnp.clip(((flat - gmin) * scale).astype(jnp.int32), 0, NUM_BINS - 1)  # [B, HW]
    batch_idx = jnp.broadcast_to(jnp.arange(B)[:, None], bin_idx.shape)
    hist = jnp.zeros((B, NUM_BINS), jnp.float32).at[
        batch_idx.reshape(-1), bin_idx.reshape(-1)
    ].add(1.0)  # scatter-add histogram

    # per-image bin centers: gmin + (i + 0.5) / scale
    centers = gmin + (jnp.arange(NUM_BINS, dtype=jnp.float32)[None, :] + 0.5) / scale  # [B, 256]

    wc = hist * centers
    w1 = jnp.cumsum(hist, axis=1)
    c1 = jnp.cumsum(wc, axis=1)
    total_w = w1[:, -1:]
    total_c = c1[:, -1:]

    w1m = w1[:, :-1]
    c1m = c1[:, :-1]
    w2p = total_w - w1m  # weight2 shifted by one (skimage weight2[1:])
    m1 = c1m / jnp.maximum(w1m, 1e-12)
    m2 = (total_c - c1m) / jnp.maximum(w2p, 1e-12)
    var12 = w1m * w2p * (m1 - m2) ** 2  # between-class variance
    idx = jnp.argmax(var12, axis=1)  # [B]
    thr = jnp.take_along_axis(centers, idx[:, None], axis=1)  # [B,1] bin_centers[:-1][argmax]

    # tf.where(gray > threshold, 255, 0), then grayscale_to_rgb
    binary = jnp.where(gray > thr.reshape(B, 1, 1), 255.0, 0.0)  # [B,H,W]
    out = jnp.repeat(binary[..., None], 3, axis=-1)  # [B,H,W,3]
    return out

if __name__ == "__main__":
    import jax
    _d = setup_inputs()
    print(jax.jit(kernel)(*tuple(_d.values())))

</pallas_src>

<mosaic_0001>
#map = affine_map<(d0, d1) -> (0)>
module attributes {stable_mosaic.version = 14 : i64} {
  func.func @_sc_hist_body(%arg0: i32, %arg1: i32, %arg2: memref<8388608xf32, #tpu.memory_space<hbm>>, %arg3: memref<512xf32, #tpu.memory_space<hbm>>, %arg4: memref<512xf32, #tpu.memory_space<hbm>>, %arg5: memref<8192xf32, #tpu.memory_space<hbm>>, %arg6: memref<32768xf32, #tpu.memory_space<vmem>>, %arg7: memref<32768xf32, #tpu.memory_space<vmem>>, %arg8: memref<17488xf32, #tpu.memory_space<vmem>>, %arg9: memref<256xf32, #tpu.memory_space<vmem>>, %arg10: memref<16xf32, #tpu.memory_space<vmem>>, %arg11: memref<16xf32, #tpu.memory_space<vmem>>, %arg12: memref<!tpu.dma_semaphore, #tpu.memory_space<semaphore_mem>>, %arg13: memref<!tpu.dma_semaphore, #tpu.memory_space<semaphore_mem>>) attributes {dimension_semantics = [#tpu.dimension_semantics<core_parallel>, #tpu.dimension_semantics<subcore_parallel>], iteration_bounds = array<i64: 2, 16>, scalar_prefetch = 0 : i64, scratch_operands = 8 : i64, tpu.core_type = #tpu.core_type<sc_vector_subcore>, window_params = [{transform_indices = #map}, {transform_indices = #map}, {transform_indices = #map}, {transform_indices = #map}]} {
    %mul3A = arith.constant 2 : i32
    %mul3A_0 = arith.muli %arg1, %mul3A : i32
    %add3A = arith.addi %mul3A_0, %arg0 : i32
    %mul3A_1 = arith.constant 262144 : i32
    %mul3A_2 = arith.muli %add3A, %mul3A_1 : i32
    %mul3A_3 = arith.constant 16 : i32
    %mul3A_4 = arith.muli %add3A, %mul3A_3 : i32
    "tpu.region"() ({
      %run_scoped3A = tpu.sem_alloc : memref<!tpu.dma_semaphore, #tpu.memory_space<semaphore_mem>>
      %dma_start3A_62 = tpu.memref_slice %arg3[%mul3A_4] : memref<512xf32, #tpu.memory_space<hbm>> -> memref<16xf32, #tpu.memory_space<hbm>>
      %dma_start3A_63 = tpu.memref_slice %arg3[%mul3A_4] : memref<512xf32, #tpu.memory_space<hbm>> -> memref<16xf32, #tpu.memory_space<hbm>>
      tpu.enqueue_dma source(%dma_start3A_63 : memref<16xf32, #tpu.memory_space<hbm>>) target(%arg10 : memref<16xf32, #tpu.memory_space<vmem>>) target_semaphore(%run_scoped3A : memref<!tpu.dma_semaphore, #tpu.memory_space<semaphore_mem>>)
      %dma_wait3A = tpu.memref_slice %arg3[%mul3A_4] : memref<512xf32, #tpu.memory_space<hbm>> -> memref<16xf32, #tpu.memory_space<hbm>>
      %dma_wait3A_64 = tpu.memref_slice %arg3[%mul3A_4] : memref<512xf32, #tpu.memory_space<hbm>> -> memref<16xf32, #tpu.memory_space<hbm>>
      tpu.wait_dma2 semaphore(%run_scoped3A : memref<!tpu.dma_semaphore, #tpu.memory_space<semaphore_mem>>) src(%dma_wait3A_64 : memref<16xf32, #tpu.memory_space<hbm>>) dst(%arg10 : memref<16xf32, #tpu.memory_space<vmem>>)
      tpu.yield
    }) : () -> ()
    %mul3A_5 = arith.constant 16 : i32
    %mul3A_6 = arith.muli %add3A, %mul3A_5 : i32
    "tpu.region"() ({
      %run_scoped3A = tpu.sem_alloc : memref<!tpu.dma_semaphore, #tpu.memory_space<semaphore_mem>>
      %dma_start3A_62 = tpu.memref_slice %arg4[%mul3A_6] : memref<512xf32, #tpu.memory_space<hbm>> -> memref<16xf32, #tpu.memory_space<hbm>>
      %dma_start3A_63 = tpu.memref_slice %arg4[%mul3A_6] : memref<512xf32, #tpu.memory_space<hbm>> -> memref<16xf32, #tpu.memory_space<hbm>>
      tpu.enqueue_dma source(%dma_start3A_63 : memref<16xf32, #tpu.memory_space<hbm>>) target(%arg11 : memref<16xf32, #tpu.memory_space<vmem>>) target_semaphore(%run_scoped3A : memref<!tpu.dma_semaphore, #tpu.memory_space<semaphore_mem>>)
      %dma_wait3A = tpu.memref_slice %arg4[%mul3A_6] : memref<512xf32, #tpu.memory_space<hbm>> -> memref<16xf32, #tpu.memory_space<hbm>>
      %dma_wait3A_64 = tpu.memref_slice %arg4[%mul3A_6] : memref<512xf32, #tpu.memory_space<hbm>> -> memref<16xf32, #tpu.memory_space<hbm>>
      tpu.wait_dma2 semaphore(%run_scoped3A : memref<!tpu.dma_semaphore, #tpu.memory_space<semaphore_mem>>) src(%dma_wait3A_64 : memref<16xf32, #tpu.memory_space<hbm>>) dst(%arg11 : memref<16xf32, #tpu.memory_space<vmem>>)
      tpu.yield
    }) : () -> ()
    %get3A = arith.constant 0 : index
    %get3A_7 = tpu.vector_load %arg10[%get3A] {strides = array<i32>} : memref<16xf32, #tpu.memory_space<vmem>>, vector<16xf32>,
    %get3A_8 = arith.constant 0 : index
    %get3A_9 = tpu.vector_load %arg11[%get3A_8] {strides = array<i32>} : memref<16xf32, #tpu.memory_space<vmem>>, vector<16xf32>,
    %iota3A = tpu.iota {dimensions = array<i32: 0>} : vector<16xi32>
    %mul3A_10 = arith.constant 273 : i32
    %mul3A_11 = vector.broadcast %mul3A_10 : i32 to vector<16xi32>
    %mul3A_12 = arith.muli %iota3A, %mul3A_11 : vector<16xi32>
    %add3A_13 = arith.constant 0 : i32
    %add3A_14 = vector.broadcast %add3A_13 : i32 to vector<16xi32>
    %add3A_15 = arith.addi %mul3A_12, %add3A_14 : vector<16xi32>
    %mul3A_16 = arith.constant 273 : i32
    %mul3A_17 = vector.broadcast %mul3A_16 : i32 to vector<16xi32>
    %mul3A_18 = arith.muli %iota3A, %mul3A_17 : vector<16xi32>
    %add3A_19 = arith.constant 4368 : i32
    %add3A_20 = vector.broadcast %add3A_19 : i32 to vector<16xi32>
    %add3A_21 = arith.addi %mul3A_18, %add3A_20 : vector<16xi32>
    %mul3A_22 = arith.constant 273 : i32
    %mul3A_23 = vector.broadcast %mul3A_22 : i32 to vector<16xi32>
    %mul3A_24 = arith.muli %iota3A, %mul3A_23 : vector<16xi32>
    %add3A_25 = arith.constant 8736 : i32
    %add3A_26 = vector.broadcast %add3A_25 : i32 to vector<16xi32>
    %add3A_27 = arith.addi %mul3A_24, %add3A_26 : vector<16xi32>
    %mul3A_28 = arith.constant 273 : i32
    %mul3A_29 = vector.broadcast %mul3A_28 : i32 to vector<16xi32>
    %mul3A_30 = arith.muli %iota3A, %mul3A_29 : vector<16xi32>
    %add3A_31 = arith.constant 13104 : i32
    %add3A_32 = vector.broadcast %add3A_31 : i32 to vector<16xi32>
    %add3A_33 = arith.addi %mul3A_30, %add3A_32 : vector<16xi32>
    %broadcast_in_dim3A = arith.constant 1.000000e+00 : f32
    %broadcast_in_dim3A_34 = vector.broadcast %broadcast_in_dim3A : f32 to vector<16xf32>
    %broadcast_in_dim3A_35 = arith.constant 0.000000e+00 : f32
    %broadcast_in_dim3A_36 = vector.broadcast %broadcast_in_dim3A_35 : f32 to vector<16xf32>
    %scan3A = arith.constant 0 : i32
    %scan3A_37 = arith.constant 0 : i32
    %scan3A_38 = arith.constant 1093 : i32
    %scan3A_39 = arith.addi %scan3A_37, %scan3A_38 : i32
    %scan3A_40 = arith.constant 1 : i32
    %scan3A_41 = scf.for %scan3A_62 = %scan3A_37 to %scan3A_39 step %scan3A_40 iter_args(%scan3A_63 = %scan3A) -> (i32)  : i32 {
      %mul3A_64 = arith.constant 16 : i32
      %mul3A_65 = arith.muli %scan3A_62, %mul3A_64 : i32
      %swap3A = arith.index_cast %mul3A_65 : i32 to index
      %swap3A_66 = tpu.vector_load %arg8[%swap3A] {strides = array<i32>} : memref<17488xf32, #tpu.memory_space<vmem>>, vector<16xf32>,
      tpu.vector_store %arg8[%swap3A], %broadcast_in_dim3A_36 {strides = array<i32>} : memref<17488xf32, #tpu.memory_space<vmem>>, vector<16xf32>,
      %scan3A_67 = arith.constant 0 : i32
      scf.yield %scan3A_67 : i32
    }
    %scan3A_42 = arith.constant 1093 : i32
    %dma_start3A = tpu.memref_slice %arg2[%mul3A_2] : memref<8388608xf32, #tpu.memory_space<hbm>> -> memref<32768xf32, #tpu.memory_space<hbm>>
    %dma_start3A_43 = tpu.memref_slice %arg2[%mul3A_2] : memref<8388608xf32, #tpu.memory_space<hbm>> -> memref<32768xf32, #tpu.memory_space<hbm>>
    tpu.enqueue_dma source(%dma_start3A_43 : memref<32768xf32, #tpu.memory_space<hbm>>) target(%arg6 : memref<32768xf32, #tpu.memory_space<vmem>>) target_semaphore(%arg12 : memref<!tpu.dma_semaphore, #tpu.memory_space<semaphore_mem>>)
    %add3A_44 = arith.constant 32768 : i32
    %add3A_45 = arith.addi %mul3A_2, %add3A_44 : i32
    %dma_start3A_46 = tpu.memref_slice %arg2[%add3A_45] : memref<8388608xf32, #tpu.memory_space<hbm>> -> memref<32768xf32, #tpu.memory_space<hbm>>
    %dma_start3A_47 = tpu.memref_slice %arg2[%add3A_45] : memref<8388608xf32, #tpu.memory_space<hbm>> -> memref<32768xf32, #tpu.memory_space<hbm>>
    tpu.enqueue_dma source(%dma_start3A_47 : memref<32768xf32, #tpu.memory_space<hbm>>) target(%arg7 : memref<32768xf32, #tpu.memory_space<vmem>>) target_semaphore(%arg13 : memref<!tpu.dma_semaphore, #tpu.memory_space<semaphore_mem>>)
    %scan3A_48 = arith.constant 0 : i32
    %scan3A_49 = arith.constant 4 : i32
    %scan3A_50 = arith.addi %scan3A_48, %scan3A_49 : i32
    %scan3A_51 = arith.constant 1 : i32
    scf.for %scan3A_62 = %scan3A_48 to %scan3A_50 step %scan3A_51  : i32 {
      %mul3A_63 = arith.constant 2 : i32
      %mul3A_64 = arith.muli %scan3A_62, %mul3A_63 : i32
      %add3A_65 = arith.constant 0 : i32
      %add3A_66 = arith.addi %add3A_65, %mul3A_64 : i32
      %add3A_67 = arith.constant 0 : i32
      %add3A_68 = arith.addi %add3A_66, %add3A_67 : i32
      %mul3A_69 = arith.constant 32768 : i32
      %mul3A_70 = arith.muli %add3A_68, %mul3A_69 : i32
      %add3A_71 = arith.addi %mul3A_2, %mul3A_70 : i32
      %dma_wait3A = tpu.memref_slice %arg2[%add3A_71] : memref<8388608xf32, #tpu.memory_space<hbm>> -> memref<32768xf32, #tpu.memory_space<hbm>>
      %dma_wait3A_72 = tpu.memref_slice %arg2[%add3A_71] : memref<8388608xf32, #tpu.memory_space<hbm>> -> memref<32768xf32, #tpu.memory_space<hbm>>
      tpu.wait_dma2 semaphore(%arg12 : memref<!tpu.dma_semaphore, #tpu.memory_space<semaphore_mem>>) src(%dma_wait3A_72 : memref<32768xf32, #tpu.memory_space<hbm>>) dst(%arg6 : memref<32768xf32, #tpu.memory_space<vmem>>)
      %scan3A_73 = arith.constant 0 : i32
      %scan3A_74 = arith.constant 0 : i32
      %scan3A_75 = arith.constant 256 : i32
      %scan3A_76 = arith.addi %scan3A_74, %scan3A_75 : i32
      %scan3A_77 = arith.constant 1 : i32
      %scan3A_78 = scf.for %scan3A_105 = %scan3A_74 to %scan3A_76 step %scan3A_77 iter_args(%scan3A_106 = %scan3A_73) -> (i32)  : i32 {
        %mul3A_107 = arith.constant 128 : i32
        %mul3A_108 = arith.muli %scan3A_105, %mul3A_107 : i32
        %add3A_109 = arith.constant 0 : i32
        %add3A_110 = arith.addi %mul3A_108, %add3A_109 : i32
        %get3A_111 = arith.index_cast %add3A_110 : i32 to index
        %get3A_112 = tpu.vector_load %arg6[%get3A_111] {strides = array<i32>} : memref<32768xf32, #tpu.memory_space<vmem>>, vector<16xf32>,
        %sub3A = arith.subf %get3A_112, %get3A_7 : vector<16xf32>
        %mul3A_113 = arith.mulf %sub3A, %get3A_9 : vector<16xf32>
        %convert_element_type3A_114 = arith.fptosi %mul3A_113 : vector<16xf32> to vector<16xi32>
        %min3A = arith.constant 255 : i32
        %min3A_115 = vector.broadcast %min3A : i32 to vector<16xi32>
        %min3A_116 = arith.minsi %convert_element_type3A_114, %min3A_115 : vector<16xi32>
        %add3A_117 = arith.addi %add3A_15, %min3A_116 : vector<16xi32>
        tpu.vector_store_idx %arg8[%add3A_117], %broadcast_in_dim3A_34 {add = true} : memref<17488xf32, #tpu.memory_space<vmem>>[vector<16xi32>], vector<16xf32>,
        %mul3A_118 = arith.constant 128 : i32
        %mul3A_119 = arith.muli %scan3A_105, %mul3A_118 : i32
        %add3A_120 = arith.constant 16 : i32
        %add3A_121 = arith.addi %mul3A_119, %add3A_120 : i32
        %get3A_122 = arith.index_cast %add3A_121 : i32 to index
        %get3A_123 = tpu.vector_load %arg6[%get3A_122] {strides = array<i32>} : memref<32768xf32, #tpu.memory_space<vmem>>, vector<16xf32>,
        %sub3A_124 = arith.subf %get3A_123, %get3A_7 : vector<16xf32>
        %mul3A_125 = arith.mulf %sub3A_124, %get3A_9 : vector<16xf32>
        %convert_element_type3A_126 = arith.fptosi %mul3A_125 : vector<16xf32> to vector<16xi32>
        %min3A_127 = arith.constant 255 : i32
        %min3A_128 = vector.broadcast %min3A_127 : i32 to vector<16xi32>
        %min3A_129 = arith.minsi %convert_element_type3A_126, %min3A_128 : vector<16xi32>
        %add3A_130 = arith.addi %add3A_21, %min3A_129 : vector<16xi32>
        tpu.vector_store_idx %arg8[%add3A_130], %broadcast_in_dim3A_34 {add = true} : memref<17488xf32, #tpu.memory_space<vmem>>[vector<16xi32>], vector<16xf32>,
        %mul3A_131 = arith.constant 128 : i32
        %mul3A_132 = arith.muli %scan3A_105, %mul3A_131 : i32
        %add3A_133 = arith.constant 32 : i32
        %add3A_134 = arith.addi %mul3A_132, %add3A_133 : i32
        %get3A_135 = arith.index_cast %add3A_134 : i32 to index
        %get3A_136 = tpu.vector_load %arg6[%get3A_135] {strides = array<i32>} : memref<32768xf32, #tpu.memory_space<vmem>>, vector<16xf32>,
        %sub3A_137 = arith.subf %get3A_136, %get3A_7 : vector<16xf32>
        %mul3A_138 = arith.mulf %sub3A_137, %get3A_9 : vector<16xf32>
        %convert_element_type3A_139 = arith.fptosi %mul3A_138 : vector<16xf32> to vector<16xi32>
        %min3A_140 = arith.constant 255 : i32
        %min3A_141 = vector.broadcast %min3A_140 : i32 to vector<16xi32>
        %min3A_142 = arith.minsi %convert_element_type3A_139, %min3A_141 : vector<16xi32>
        %add3A_143 = arith.addi %add3A_27, %min3A_142 : vector<16xi32>
        tpu.vector_store_idx %arg8[%add3A_143], %broadcast_in_dim3A_34 {add = true} : memref<17488xf32, #tpu.memory_space<vmem>>[vector<16xi32>], vector<16xf32>,
        %mul3A_144 = arith.constant 128 : i32
        %mul3A_145 = arith.muli %scan3A_105, %mul3A_144 : i32
        %add3A_146 = arith.constant 48 : i32
        %add3A_147 = arith.addi %mul3A_145, %add3A_146 : i32
        %get3A_148 = arith.index_cast %add3A_147 : i32 to index
        %get3A_149 = tpu.vector_load %arg6[%get3A_148] {strides = array<i32>} : memref<32768xf32, #tpu.memory_space<vmem>>, vector<16xf32>,
        %sub3A_150 = arith.subf %get3A_149, %get3A_7 : vector<16xf32>
        %mul3A_151 = arith.mulf %sub3A_150, %get3A_9 : vector<16xf32>
        %convert_element_type3A_152 = arith.fptosi %mul3A_151 : vector<16xf32> to vector<16xi32>
        %min3A_153 = arith.constant 255 : i32
        %min3A_154 = vector.broadcast %min3A_153 : i32 to vector<16xi32>
        %min3A_155 = arith.minsi %convert_element_type3A_152, %min3A_154 : vector<16xi32>
        %add3A_156 = arith.addi %add3A_33, %min3A_155 : vector<16xi32>
        tpu.vector_store_idx %arg8[%add3A_156], %broadcast_in_dim3A_34 {add = true} : memref<17488xf32, #tpu.memory_space<vmem>>[vector<16xi32>], vector<16xf32>,
        %mul3A_157 = arith.constant 128 : i32
        %mul3A_158 = arith.muli %scan3A_105, %mul3A_157 : i32
        %add3A_159 = arith.constant 64 : i32
        %add3A_160 = arith.addi %mul3A_158, %add3A_159 : i32
        %get3A_161 = arith.index_cast %add3A_160 : i32 to index
        %get3A_162 = tpu.vector_load %arg6[%get3A_161] {strides = array<i32>} : memref<32768xf32, #tpu.memory_space<vmem>>, vector<16xf32>,
        %sub3A_163 = arith.subf %get3A_162, %get3A_7 : vector<16xf32>
        %mul3A_164 = arith.mulf %sub3A_163, %get3A_9 : vector<16xf32>
        %convert_element_type3A_165 = arith.fptosi %mul3A_164 : vector<16xf32> to vector<16xi32>
        %min3A_166 = arith.constant 255 : i32
        %min3A_167 = vector.broadcast %min3A_166 : i32 to vector<16xi32>
        %min3A_168 = arith.minsi %convert_element_type3A_165, %min3A_167 : vector<16xi32>
        %add3A_169 = arith.addi %add3A_15, %min3A_168 : vector<16xi32>
        tpu.vector_store_idx %arg8[%add3A_169], %broadcast_in_dim3A_34 {add = true} : memref<17488xf32, #tpu.memory_space<vmem>>[vector<16xi32>], vector<16xf32>,
        %mul3A_170 = arith.constant 128 : i32
        %mul3A_171 = arith.muli %scan3A_105, %mul3A_170 : i32
        %add3A_172 = arith.constant 80 : i32
        %add3A_173 = arith.addi %mul3A_171, %add3A_172 : i32
        %get3A_174 = arith.index_cast %add3A_173 : i32 to index
        %get3A_175 = tpu.vector_load %arg6[%get3A_174] {strides = array<i32>} : memref<32768xf32, #tpu.memory_space<vmem>>, vector<16xf32>,
        %sub3A_176 = arith.subf %get3A_175, %get3A_7 : vector<16xf32>
        %mul3A_177 = arith.mulf %sub3A_176, %get3A_9 : vector<16xf32>
        %convert_element_type3A_178 = arith.fptosi %mul3A_177 : vector<16xf32> to vector<16xi32>
        %min3A_179 = arith.constant 255 : i32
        %min3A_180 = vector.broadcast %min3A_179 : i32 to vector<16xi32>
        %min3A_181 = arith.minsi %convert_element_type3A_178, %min3A_180 : vector<16xi32>
        %add3A_182 = arith.addi %add3A_21, %min3A_181 : vector<16xi32>
        tpu.vector_store_idx %arg8[%add3A_182], %broadcast_in_dim3A_34 {add = true} : memref<17488xf32, #tpu.memory_space<vmem>>[vector<16xi32>], vector<16xf32>,
        %mul3A_183 = arith.constant 128 : i32
        %mul3A_184 = arith.muli %scan3A_105, %mul3A_183 : i32
        %add3A_185 = arith.constant 96 : i32
        %add3A_186 = arith.addi %mul3A_184, %add3A_185 : i32
        %get3A_187 = arith.index_cast %add3A_186 : i32 to index
        %get3A_188 = tpu.vector_load %arg6[%get3A_187] {strides = array<i32>} : memref<32768xf32, #tpu.memory_space<vmem>>, vector<16xf32>,
        %sub3A_189 = arith.subf %get3A_188, %get3A_7 : vector<16xf32>
        %mul3A_190 = arith.mulf %sub3A_189, %get3A_9 : vector<16xf32>
        %convert_element_type3A_191 = arith.fptosi %mul3A_190 : vector<16xf32> to vector<16xi32>
        %min3A_192 = arith.constant 255 : i32
        %min3A_193 = vector.broadcast %min3A_192 : i32 to vector<16xi32>
        %min3A_194 = arith.minsi %convert_element_type3A_191, %min3A_193 : vector<16xi32>
        %add3A_195 = arith.addi %add3A_27, %min3A_194 : vector<16xi32>
        tpu.vector_store_idx %arg8[%add3A_195], %broadcast_in_dim3A_34 {add = true} : memref<17488xf32, #tpu.memory_space<vmem>>[vector<16xi32>], vector<16xf32>,
        %mul3A_196 = arith.constant 128 : i32
        %mul3A_197 = arith.muli %scan3A_105, %mul3A_196 : i32
        %add3A_198 = arith.constant 112 : i32
        %add3A_199 = arith.addi %mul3A_197, %add3A_198 : i32
        %get3A_200 = arith.index_cast %add3A_199 : i32 to index
        %get3A_201 = tpu.vector_load %arg6[%get3A_200] {strides = array<i32>} : memref<32768xf32, #tpu.memory_space<vmem>>, vector<16xf32>,
        %sub3A_202 = arith.subf %get3A_201, %get3A_7 : vector<16xf32>
        %mul3A_203 = arith.mulf %sub3A_202, %get3A_9 : vector<16xf32>
        %convert_element_type3A_204 = arith.fptosi %mul3A_203 : vector<16xf32> to vector<16xi32>
        %min3A_205 = arith.constant 255 : i32
        %min3A_206 = vector.broadcast %min3A_205 : i32 to vector<16xi32>
        %min3A_207 = arith.minsi %convert_element_type3A_204, %min3A_206 : vector<16xi32>
        %add3A_208 = arith.addi %add3A_33, %min3A_207 : vector<16xi32>
        tpu.vector_store_idx %arg8[%add3A_208], %broadcast_in_dim3A_34 {add = true} : memref<17488xf32, #tpu.memory_space<vmem>>[vector<16xi32>], vector<16xf32>,
        %scan3A_209 = arith.constant 0 : i32
        scf.yield %scan3A_209 : i32
      }
      %scan3A_79 = arith.constant 256 : i32
      %add3A_80 = arith.constant 2 : i32
      %add3A_81 = arith.addi %add3A_68, %add3A_80 : i32
      %lt3A = arith.constant 8 : i32
      %lt3A_82 = arith.cmpi slt, %add3A_81, %lt3A : i32
      %convert_element_type3A = arith.extui %lt3A_82 : i1 to i32
      %cond3A = arith.constant 0 : i32
      %cond3A_83 = arith.cmpi ne, %convert_element_type3A, %cond3A : i32
      scf.if %cond3A_83 {
        %add3A_105 = arith.constant 2 : i32
        %add3A_106 = arith.addi %add3A_68, %add3A_105 : i32
        %mul3A_107 = arith.constant 32768 : i32
        %mul3A_108 = arith.muli %add3A_106, %mul3A_107 : i32
        %add3A_109 = arith.addi %mul3A_2, %mul3A_108 : i32
        %dma_start3A_110 = tpu.memref_slice %arg2[%add3A_109] : memref<8388608xf32, #tpu.memory_space<hbm>> -> memref<32768xf32, #tpu.memory_space<hbm>>
        %dma_start3A_111 = tpu.memref_slice %arg2[%add3A_109] : memref<8388608xf32, #tpu.memory_space<hbm>> -> memref<32768xf32, #tpu.memory_space<hbm>>
        tpu.enqueue_dma source(%dma_start3A_111 : memref<32768xf32, #tpu.memory_space<hbm>>) target(%arg6 : memref<32768xf32, #tpu.memory_space<vmem>>) target_semaphore(%arg12 : memref<!tpu.dma_semaphore, #tpu.memory_space<semaphore_mem>>)
      } else {
      }
      %add3A_84 = arith.constant 1 : i32
      %add3A_85 = arith.addi %add3A_66, %add3A_84 : i32
      %mul3A_86 = arith.constant 32768 : i32
      %mul3A_87 = arith.muli %add3A_85, %mul3A_86 : i32
      %add3A_88 = arith.addi %mul3A_2, %mul3A_87 : i32
      %dma_wait3A_89 = tpu.memref_slice %arg2[%add3A_88] : memref<8388608xf32, #tpu.memory_space<hbm>> -> memref<32768xf32, #tpu.memory_space<hbm>>
      %dma_wait3A_90 = tpu.memref_slice %arg2[%add3A_88] : memref<8388608xf32, #tpu.memory_space<hbm>> -> memref<32768xf32, #tpu.memory_space<hbm>>
      tpu.wait_dma2 semaphore(%arg13 : memref<!tpu.dma_semaphore, #tpu.memory_space<semaphore_mem>>) src(%dma_wait3A_90 : memref<32768xf32, #tpu.memory_space<hbm>>) dst(%arg7 : memref<32768xf32, #tpu.memory_space<vmem>>)
      %scan3A_91 = arith.constant 0 : i32
      %scan3A_92 = arith.constant 0 : i32
      %scan3A_93 = arith.constant 256 : i32
      %scan3A_94 = arith.addi %scan3A_92, %scan3A_93 : i32
      %scan3A_95 = arith.constant 1 : i32
      %scan3A_96 = scf.for %scan3A_105 = %scan3A_92 to %scan3A_94 step %scan3A_95 iter_args(%scan3A_106 = %scan3A_91) -> (i32)  : i32 {
        %mul3A_107 = arith.constant 128 : i32
        %mul3A_108 = arith.muli %scan3A_105, %mul3A_107 : i32
        %add3A_109 = arith.constant 0 : i32
        %add3A_110 = arith.addi %mul3A_108, %add3A_109 : i32
        %get3A_111 = arith.index_cast %add3A_110 : i32 to index
        %get3A_112 = tpu.vector_load %arg7[%get3A_111] {strides = array<i32>} : memref<32768xf32, #tpu.memory_space<vmem>>, vector<16xf32>,
        %sub3A = arith.subf %get3A_112, %get3A_7 : vector<16xf32>
        %mul3A_113 = arith.mulf %sub3A, %get3A_9 : vector<16xf32>
        %convert_element_type3A_114 = arith.fptosi %mul3A_113 : vector<16xf32> to vector<16xi32>
        %min3A = arith.constant 255 : i32
        %min3A_115 = vector.broadcast %min3A : i32 to vector<16xi32>
        %min3A_116 = arith.minsi %convert_element_type3A_114, %min3A_115 : vector<16xi32>
        %add3A_117 = arith.addi %add3A_15, %min3A_116 : vector<16xi32>
        tpu.vector_store_idx %arg8[%add3A_117], %broadcast_in_dim3A_34 {add = true} : memref<17488xf32, #tpu.memory_space<vmem>>[vector<16xi32>], vector<16xf32>,
        %mul3A_118 = arith.constant 128 : i32
        %mul3A_119 = arith.muli %scan3A_105, %mul3A_118 : i32
        %add3A_120 = arith.constant 16 : i32
        %add3A_121 = arith.addi %mul3A_119, %add3A_120 : i32
        %get3A_122 = arith.index_cast %add3A_121 : i32 to index
        %get3A_123 = tpu.vector_load %arg7[%get3A_122] {strides = array<i32>} : memref<32768xf32, #tpu.memory_space<vmem>>, vector<16xf32>,
        %sub3A_124 = arith.subf %get3A_123, %get3A_7 : vector<16xf32>
        %mul3A_125 = arith.mulf %sub3A_124, %get3A_9 : vector<16xf32>
        %convert_element_type3A_126 = arith.fptosi %mul3A_125 : vector<16xf32> to vector<16xi32>
        %min3A_127 = arith.constant 255 : i32
        %min3A_128 = vector.broadcast %min3A_127 : i32 to vector<16xi32>
        %min3A_129 = arith.minsi %convert_element_type3A_126, %min3A_128 : vector<16xi32>
        %add3A_130 = arith.addi %add3A_21, %min3A_129 : vector<16xi32>
        tpu.vector_store_idx %arg8[%add3A_130], %broadcast_in_dim3A_34 {add = true} : memref<17488xf32, #tpu.memory_space<vmem>>[vector<16xi32>], vector<16xf32>,
        %mul3A_131 = arith.constant 128 : i32
        %mul3A_132 = arith.muli %scan3A_105, %mul3A_131 : i32
        %add3A_133 = arith.constant 32 : i32
        %add3A_134 = arith.addi %mul3A_132, %add3A_133 : i32
        %get3A_135 = arith.index_cast %add3A_134 : i32 to index
        %get3A_136 = tpu.vector_load %arg7[%get3A_135] {strides = array<i32>} : memref<32768xf32, #tpu.memory_space<vmem>>, vector<16xf32>,
        %sub3A_137 = arith.subf %get3A_136, %get3A_7 : vector<16xf32>
        %mul3A_138 = arith.mulf %sub3A_137, %get3A_9 : vector<16xf32>
        %convert_element_type3A_139 = arith.fptosi %mul3A_138 : vector<16xf32> to vector<16xi32>
        %min3A_140 = arith.constant 255 : i32
        %min3A_141 = vector.broadcast %min3A_140 : i32 to vector<16xi32>
        %min3A_142 = arith.minsi %convert_element_type3A_139, %min3A_141 : vector<16xi32>
        %add3A_143 = arith.addi %add3A_27, %min3A_142 : vector<16xi32>
        tpu.vector_store_idx %arg8[%add3A_143], %broadcast_in_dim3A_34 {add = true} : memref<17488xf32, #tpu.memory_space<vmem>>[vector<16xi32>], vector<16xf32>,
        %mul3A_144 = arith.constant 128 : i32
        %mul3A_145 = arith.muli %scan3A_105, %mul3A_144 : i32
        %add3A_146 = arith.constant 48 : i32
        %add3A_147 = arith.addi %mul3A_145, %add3A_146 : i32
        %get3A_148 = arith.index_cast %add3A_147 : i32 to index
        %get3A_149 = tpu.vector_load %arg7[%get3A_148] {strides = array<i32>} : memref<32768xf32, #tpu.memory_space<vmem>>, vector<16xf32>,
        %sub3A_150 = arith.subf %get3A_149, %get3A_7 : vector<16xf32>
        %mul3A_151 = arith.mulf %sub3A_150, %get3A_9 : vector<16xf32>
        %convert_element_type3A_152 = arith.fptosi %mul3A_151 : vector<16xf32> to vector<16xi32>
        %min3A_153 = arith.constant 255 : i32
        %min3A_154 = vector.broadcast %min3A_153 : i32 to vector<16xi32>
        %min3A_155 = arith.minsi %convert_element_type3A_152, %min3A_154 : vector<16xi32>
        %add3A_156 = arith.addi %add3A_33, %min3A_155 : vector<16xi32>
        tpu.vector_store_idx %arg8[%add3A_156], %broadcast_in_dim3A_34 {add = true} : memref<17488xf32, #tpu.memory_space<vmem>>[vector<16xi32>], vector<16xf32>,
        %mul3A_157 = arith.constant 128 : i32
        %mul3A_158 = arith.muli %scan3A_105, %mul3A_157 : i32
        %add3A_159 = arith.constant 64 : i32
        %add3A_160 = arith.addi %mul3A_158, %add3A_159 : i32
        %get3A_161 = arith.index_cast %add3A_160 : i32 to index
        %get3A_162 = tpu.vector_load %arg7[%get3A_161] {strides = array<i32>} : memref<32768xf32, #tpu.memory_space<vmem>>, vector<16xf32>,
        %sub3A_163 = arith.subf %get3A_162, %get3A_7 : vector<16xf32>
        %mul3A_164 = arith.mulf %sub3A_163, %get3A_9 : vector<16xf32>
        %convert_element_type3A_165 = arith.fptosi %mul3A_164 : vector<16xf32> to vector<16xi32>
        %min3A_166 = arith.constant 255 : i32
        %min3A_167 = vector.broadcast %min3A_166 : i32 to vector<16xi32>
        %min3A_168 = arith.minsi %convert_element_type3A_165, %min3A_167 : vector<16xi32>
        %add3A_169 = arith.addi %add3A_15, %min3A_168 : vector<16xi32>
        tpu.vector_store_idx %arg8[%add3A_169], %broadcast_in_dim3A_34 {add = true} : memref<17488xf32, #tpu.memory_space<vmem>>[vector<16xi32>], vector<16xf32>,
        %mul3A_170 = arith.constant 128 : i32
        %mul3A_171 = arith.muli %scan3A_105, %mul3A_170 : i32
        %add3A_172 = arith.constant 80 : i32
        %add3A_173 = arith.addi %mul3A_171, %add3A_172 : i32
        %get3A_174 = arith.index_cast %add3A_173 : i32 to index
        %get3A_175 = tpu.vector_load %arg7[%get3A_174] {strides = array<i32>} : memref<32768xf32, #tpu.memory_space<vmem>>, vector<16xf32>,
        %sub3A_176 = arith.subf %get3A_175, %get3A_7 : vector<16xf32>
        %mul3A_177 = arith.mulf %sub3A_176, %get3A_9 : vector<16xf32>
        %convert_element_type3A_178 = arith.fptosi %mul3A_177 : vector<16xf32> to vector<16xi32>
        %min3A_179 = arith.constant 255 : i32
        %min3A_180 = vector.broadcast %min3A_179 : i32 to vector<16xi32>
        %min3A_181 = arith.minsi %convert_element_type3A_178, %min3A_180 : vector<16xi32>
        %add3A_182 = arith.addi %add3A_21, %min3A_181 : vector<16xi32>
        tpu.vector_store_idx %arg8[%add3A_182], %broadcast_in_dim3A_34 {add = true} : memref<17488xf32, #tpu.memory_space<vmem>>[vector<16xi32>], vector<16xf32>,
        %mul3A_183 = arith.constant 128 : i32
        %mul3A_184 = arith.muli %scan3A_105, %mul3A_183 : i32
        %add3A_185 = arith.constant 96 : i32
        %add3A_186 = arith.addi %mul3A_184, %add3A_185 : i32
        %get3A_187 = arith.index_cast %add3A_186 : i32 to index
        %get3A_188 = tpu.vector_load %arg7[%get3A_187] {strides = array<i32>} : memref<32768xf32, #tpu.memory_space<vmem>>, vector<16xf32>,
        %sub3A_189 = arith.subf %get3A_188, %get3A_7 : vector<16xf32>
        %mul3A_190 = arith.mulf %sub3A_189, %get3A_9 : vector<16xf32>
        %convert_element_type3A_191 = arith.fptosi %mul3A_190 : vector<16xf32> to vector<16xi32>
        %min3A_192 = arith.constant 255 : i32
        %min3A_193 = vector.broadcast %min3A_192 : i32 to vector<16xi32>
        %min3A_194 = arith.minsi %convert_element_type3A_191, %min3A_193 : vector<16xi32>
        %add3A_195 = arith.addi %add3A_27, %min3A_194 : vector<16xi32>
        tpu.vector_store_idx %arg8[%add3A_195], %broadcast_in_dim3A_34 {add = true} : memref<17488xf32, #tpu.memory_space<vmem>>[vector<16xi32>], vector<16xf32>,
        %mul3A_196 = arith.constant 128 : i32
        %mul3A_197 = arith.muli %scan3A_105, %mul3A_196 : i32
        %add3A_198 = arith.constant 112 : i32
        %add3A_199 = arith.addi %mul3A_197, %add3A_198 : i32
        %get3A_200 = arith.index_cast %add3A_199 : i32 to index
        %get3A_201 = tpu.vector_load %arg7[%get3A_200] {strides = array<i32>} : memref<32768xf32, #tpu.memory_space<vmem>>, vector<16xf32>,
        %sub3A_202 = arith.subf %get3A_201, %get3A_7 : vector<16xf32>
        %mul3A_203 = arith.mulf %sub3A_202, %get3A_9 : vector<16xf32>
        %convert_element_type3A_204 = arith.fptosi %mul3A_203 : vector<16xf32> to vector<16xi32>
        %min3A_205 = arith.constant 255 : i32
        %min3A_206 = vector.broadcast %min3A_205 : i32 to vector<16xi32>
        %min3A_207 = arith.minsi %convert_element_type3A_204, %min3A_206 : vector<16xi32>
        %add3A_208 = arith.addi %add3A_33, %min3A_207 : vector<16xi32>
        tpu.vector_store_idx %arg8[%add3A_208], %broadcast_in_dim3A_34 {add = true} : memref<17488xf32, #tpu.memory_space<vmem>>[vector<16xi32>], vector<16xf32>,
        %scan3A_209 = arith.constant 0 : i32
        scf.yield %scan3A_209 : i32
      }
      %scan3A_97 = arith.constant 256 : i32
      %add3A_98 = arith.constant 2 : i32
      %add3A_99 = arith.addi %add3A_85, %add3A_98 : i32
      %lt3A_100 = arith.constant 8 : i32
      %lt3A_101 = arith.cmpi slt, %add3A_99, %lt3A_100 : i32
      %convert_element_type3A_102 = arith.extui %lt3A_101 : i1 to i32
      %cond3A_103 = arith.constant 0 : i32
      %cond3A_104 = arith.cmpi ne, %convert_element_type3A_102, %cond3A_103 : i32
      scf.if %cond3A_104 {
        %add3A_105 = arith.constant 2 : i32
        %add3A_106 = arith.addi %add3A_85, %add3A_105 : i32
        %mul3A_107 = arith.constant 32768 : i32
        %mul3A_108 = arith.muli %add3A_106, %mul3A_107 : i32
        %add3A_109 = arith.addi %mul3A_2, %mul3A_108 : i32
        %dma_start3A_110 = tpu.memref_slice %arg2[%add3A_109] : memref<8388608xf32, #tpu.memory_space<hbm>> -> memref<32768xf32, #tpu.memory_space<hbm>>
        %dma_start3A_111 = tpu.memref_slice %arg2[%add3A_109] : memref<8388608xf32, #tpu.memory_space<hbm>> -> memref<32768xf32, #tpu.memory_space<hbm>>
        tpu.enqueue_dma source(%dma_start3A_111 : memref<32768xf32, #tpu.memory_space<hbm>>) target(%arg7 : memref<32768xf32, #tpu.memory_space<vmem>>) target_semaphore(%arg13 : memref<!tpu.dma_semaphore, #tpu.memory_space<semaphore_mem>>)
      } else {
      }
    }
    %scan3A_52 = arith.constant 4 : i32
    %scan3A_53 = arith.constant 0 : i32
    %scan3A_54 = arith.constant 0 : i32
    %scan3A_55 = arith.constant 16 : i32
    %scan3A_56 = arith.addi %scan3A_54, %scan3A_55 : i32
    %scan3A_57 = arith.constant 1 : i32
    %scan3A_58 = scf.for %scan3A_62 = %scan3A_54 to %scan3A_56 step %scan3A_57 iter_args(%scan3A_63 = %scan3A_53) -> (i32)  : i32 {
      %mul3A_64 = arith.constant 16 : i32
      %mul3A_65 = arith.muli %scan3A_62, %mul3A_64 : i32
      %get3A_66 = arith.index_cast %mul3A_65 : i32 to index
      %get3A_67 = tpu.vector_load %arg8[%get3A_66] {strides = array<i32>} : memref<17488xf32, #tpu.memory_space<vmem>>, vector<16xf32>,
      %mul3A_68 = arith.constant 16 : i32
      %mul3A_69 = arith.muli %scan3A_62, %mul3A_68 : i32
      %add3A_70 = arith.constant 273 : i32
      %add3A_71 = arith.addi %add3A_70, %mul3A_69 : i32
      %get3A_72 = arith.index_cast %add3A_71 : i32 to index
      %get3A_73 = tpu.vector_load %arg8[%get3A_72] {strides = array<i32>} : memref<17488xf32, #tpu.memory_space<vmem>>, vector<16xf32>,
      %add3A_74 = arith.addf %get3A_67, %get3A_73 : vector<16xf32>
      %mul3A_75 = arith.constant 16 : i32
      %mul3A_76 = arith.muli %scan3A_62, %mul3A_75 : i32
      %add3A_77 = arith.constant 546 : i32
      %add3A_78 = arith.addi %add3A_77, %mul3A_76 : i32
      %get3A_79 = arith.index_cast %add3A_78 : i32 to index
      %get3A_80 = tpu.vector_load %arg8[%get3A_79] {strides = array<i32>} : memref<17488xf32, #tpu.memory_space<vmem>>, vector<16xf32>,
      %add3A_81 = arith.addf %add3A_74, %get3A_80 : vector<16xf32>
      %mul3A_82 = arith.constant 16 : i32
      %mul3A_83 = arith.muli %scan3A_62, %mul3A_82 : i32
      %add3A_84 = arith.constant 819 : i32
      %add3A_85 = arith.addi %add3A_84, %mul3A_83 : i32
      %get3A_86 = arith.index_cast %add3A_85 : i32 to index
      %get3A_87 = tpu.vector_load %arg8[%get3A_86] {strides = array<i32>} : memref<17488xf32, #tpu.memory_space<vmem>>, vector<16xf32>,
      %add3A_88 = arith.addf %add3A_81, %get3A_87 : vector<16xf32>
      %mul3A_89 = arith.constant 16 : i32
      %mul3A_90 = arith.muli %scan3A_62, %mul3A_89 : i32
      %add3A_91 = arith.constant 1092 : i32
      %add3A_92 = arith.addi %add3A_91, %mul3A_90 : i32
      %get3A_93 = arith.index_cast %add3A_92 : i32 to index
      %get3A_94 = tpu.vector_load %arg8[%get3A_93] {strides = array<i32>} : memref<17488xf32, #tpu.memory_space<vmem>>, vector<16xf32>,
      %add3A_95 = arith.addf %add3A_88, %get3A_94 : vector<16xf32>
      %mul3A_96 = arith.constant 16 : i32
      %mul3A_97 = arith.muli %scan3A_62, %mul3A_96 : i32
      %add3A_98 = arith.constant 1365 : i32
      %add3A_99 = arith.addi %add3A_98, %mul3A_97 : i32
      %get3A_100 = arith.index_cast %add3A_99 : i32 to index
      %get3A_101 = tpu.vector_load %arg8[%get3A_100] {strides = array<i32>} : memref<17488xf32, #tpu.memory_space<vmem>>, vector<16xf32>,
      %add3A_102 = arith.addf %add3A_95, %get3A_101 : vector<16xf32>
      %mul3A_103 = arith.constant 16 : i32
      %mul3A_104 = arith.muli %scan3A_62, %mul3A_103 : i32
      %add3A_105 = arith.constant 1638 : i32
      %add3A_106 = arith.addi %add3A_105, %mul3A_104 : i32
      %get3A_107 = arith.index_cast %add3A_106 : i32 to index
      %get3A_108 = tpu.vector_load %arg8[%get3A_107] {strides = array<i32>} : memref<17488xf32, #tpu.memory_space<vmem>>, vector<16xf32>,
      %add3A_109 = arith.addf %add3A_102, %get3A_108 : vector<16xf32>
      %mul3A_110 = arith.constant 16 : i32
      %mul3A_111 = arith.muli %scan3A_62, %mul3A_110 : i32
      %add3A_112 = arith.constant 1911 : i32
      %add3A_113 = arith.addi %add3A_112, %mul3A_111 : i32
      %get3A_114 = arith.index_cast %add3A_113 : i32 to index
      %get3A_115 = tpu.vector_load %arg8[%get3A_114] {strides = array<i32>} : memref<17488xf32, #tpu.memory_space<vmem>>, vector<16xf32>,
      %add3A_116 = arith.addf %add3A_109, %get3A_115 : vector<16xf32>
      %mul3A_117 = arith.constant 16 : i32
      %mul3A_118 = arith.muli %scan3A_62, %mul3A_117 : i32
      %add3A_119 = arith.constant 2184 : i32
      %add3A_120 = arith.addi %add3A_119, %mul3A_118 : i32
      %get3A_121 = arith.index_cast %add3A_120 : i32 to index
      %get3A_122 = tpu.vector_load %arg8[%get3A_121] {strides = array<i32>} : memref<17488xf32, #tpu.memory_space<vmem>>, vector<16xf32>,
      %add3A_123 = arith.addf %add3A_116, %get3A_122 : vector<16xf32>
      %mul3A_124 = arith.constant 16 : i32
      %mul3A_125 = arith.muli %scan3A_62, %mul3A_124 : i32
      %add3A_126 = arith.constant 2457 : i32
      %add3A_127 = arith.addi %add3A_126, %mul3A_125 : i32
      %get3A_128 = arith.index_cast %add3A_127 : i32 to index
      %get3A_129 = tpu.vector_load %arg8[%get3A_128] {strides = array<i32>} : memref<17488xf32, #tpu.memory_space<vmem>>, vector<16xf32>,
      %add3A_130 = arith.addf %add3A_123, %get3A_129 : vector<16xf32>
      %mul3A_131 = arith.constant 16 : i32
      %mul3A_132 = arith.muli %scan3A_62, %mul3A_131 : i32
      %add3A_133 = arith.constant 2730 : i32
      %add3A_134 = arith.addi %add3A_133, %mul3A_132 : i32
      %get3A_135 = arith.index_cast %add3A_134 : i32 to index
      %get3A_136 = tpu.vector_load %arg8[%get3A_135] {strides = array<i32>} : memref<17488xf32, #tpu.memory_space<vmem>>, vector<16xf32>,
      %add3A_137 = arith.addf %add3A_130, %get3A_136 : vector<16xf32>
      %mul3A_138 = arith.constant 16 : i32
      %mul3A_139 = arith.muli %scan3A_62, %mul3A_138 : i32
      %add3A_140 = arith.constant 3003 : i32
      %add3A_141 = arith.addi %add3A_140, %mul3A_139 : i32
      %get3A_142 = arith.index_cast %add3A_141 : i32 to index
      %get3A_143 = tpu.vector_load %arg8[%get3A_142] {strides = array<i32>} : memref<17488xf32, #tpu.memory_space<vmem>>, vector<16xf32>,
      %add3A_144 = arith.addf %add3A_137, %get3A_143 : vector<16xf32>
      %mul3A_145 = arith.constant 16 : i32
      %mul3A_146 = arith.muli %scan3A_62, %mul3A_145 : i32
      %add3A_147 = arith.constant 3276 : i32
      %add3A_148 = arith.addi %add3A_147, %mul3A_146 : i32
      %get3A_149 = arith.index_cast %add3A_148 : i32 to index
      %get3A_150 = tpu.vector_load %arg8[%get3A_149] {strides = array<i32>} : memref<17488xf32, #tpu.memory_space<vmem>>, vector<16xf32>,
      %add3A_151 = arith.addf %add3A_144, %get3A_150 : vector<16xf32>
      %mul3A_152 = arith.constant 16 : i32
      %mul3A_153 = arith.muli %scan3A_62, %mul3A_152 : i32
      %add3A_154 = arith.constant 3549 : i32
      %add3A_155 = arith.addi %add3A_154, %mul3A_153 : i32
      %get3A_156 = arith.index_cast %add3A_155 : i32 to index
      %get3A_157 = tpu.vector_load %arg8[%get3A_156] {strides = array<i32>} : memref<17488xf32, #tpu.memory_space<vmem>>, vector<16xf32>,
      %add3A_158 = arith.addf %add3A_151, %get3A_157 : vector<16xf32>
      %mul3A_159 = arith.constant 16 : i32
      %mul3A_160 = arith.muli %scan3A_62, %mul3A_159 : i32
      %add3A_161 = arith.constant 3822 : i32
      %add3A_162 = arith.addi %add3A_161, %mul3A_160 : i32
      %get3A_163 = arith.index_cast %add3A_162 : i32 to index
      %get3A_164 = tpu.vector_load %arg8[%get3A_163] {strides = array<i32>} : memref<17488xf32, #tpu.memory_space<vmem>>, vector<16xf32>,
      %add3A_165 = arith.addf %add3A_158, %get3A_164 : vector<16xf32>
      %mul3A_166 = arith.constant 16 : i32
      %mul3A_167 = arith.muli %scan3A_62, %mul3A_166 : i32
      %add3A_168 = arith.constant 4095 : i32
      %add3A_169 = arith.addi %add3A_168, %mul3A_167 : i32
      %get3A_170 = arith.index_cast %add3A_169 : i32 to index
      %get3A_171 = tpu.vector_load %arg8[%get3A_170] {strides = array<i32>} : memref<17488xf32, #tpu.memory_space<vmem>>, vector<16xf32>,
      %add3A_172 = arith.addf %add3A_165, %get3A_171 : vector<16xf32>
      %mul3A_173 = arith.constant 16 : i32
      %mul3A_174 = arith.muli %scan3A_62, %mul3A_173 : i32
      %add3A_175 = arith.constant 4368 : i32
      %add3A_176 = arith.addi %add3A_175, %mul3A_174 : i32
      %get3A_177 = arith.index_cast %add3A_176 : i32 to index
      %get3A_178 = tpu.vector_load %arg8[%get3A_177] {strides = array<i32>} : memref<17488xf32, #tpu.memory_space<vmem>>, vector<16xf32>,
      %add3A_179 = arith.addf %add3A_172, %get3A_178 : vector<16xf32>
      %mul3A_180 = arith.constant 16 : i32
      %mul3A_181 = arith.muli %scan3A_62, %mul3A_180 : i32
      %add3A_182 = arith.constant 4641 : i32
      %add3A_183 = arith.addi %add3A_182, %mul3A_181 : i32
      %get3A_184 = arith.index_cast %add3A_183 : i32 to index
      %get3A_185 = tpu.vector_load %arg8[%get3A_184] {strides = array<i32>} : memref<17488xf32, #tpu.memory_space<vmem>>, vector<16xf32>,
      %add3A_186 = arith.addf %add3A_179, %get3A_185 : vector<16xf32>
      %mul3A_187 = arith.constant 16 : i32
      %mul3A_188 = arith.muli %scan3A_62, %mul3A_187 : i32
      %add3A_189 = arith.constant 4914 : i32
      %add3A_190 = arith.addi %add3A_189, %mul3A_188 : i32
      %get3A_191 = arith.index_cast %add3A_190 : i32 to index
      %get3A_192 = tpu.vector_load %arg8[%get3A_191] {strides = array<i32>} : memref<17488xf32, #tpu.memory_space<vmem>>, vector<16xf32>,
      %add3A_193 = arith.addf %add3A_186, %get3A_192 : vector<16xf32>
      %mul3A_194 = arith.constant 16 : i32
      %mul3A_195 = arith.muli %scan3A_62, %mul3A_194 : i32
      %add3A_196 = arith.constant 5187 : i32
      %add3A_197 = arith.addi %add3A_196, %mul3A_195 : i32
      %get3A_198 = arith.index_cast %add3A_197 : i32 to index
      %get3A_199 = tpu.vector_load %arg8[%get3A_198] {strides = array<i32>} : memref<17488xf32, #tpu.memory_space<vmem>>, vector<16xf32>,
      %add3A_200 = arith.addf %add3A_193, %get3A_199 : vector<16xf32>
      %mul3A_201 = arith.constant 16 : i32
      %mul3A_202 = arith.muli %scan3A_62, %mul3A_201 : i32
      %add3A_203 = arith.constant 5460 : i32
      %add3A_204 = arith.addi %add3A_203, %mul3A_202 : i32
      %get3A_205 = arith.index_cast %add3A_204 : i32 to index
      %get3A_206 = tpu.vector_load %arg8[%get3A_205] {strides = array<i32>} : memref<17488xf32, #tpu.memory_space<vmem>>, vector<16xf32>,
      %add3A_207 = arith.addf %add3A_200, %get3A_206 : vector<16xf32>
      %mul3A_208 = arith.constant 16 : i32
      %mul3A_209 = arith.muli %scan3A_62, %mul3A_208 : i32
      %add3A_210 = arith.constant 5733 : i32
      %add3A_211 = arith.addi %add3A_210, %mul3A_209 : i32
      %get3A_212 = arith.index_cast %add3A_211 : i32 to index
      %get3A_213 = tpu.vector_load %arg8[%get3A_212] {strides = array<i32>} : memref<17488xf32, #tpu.memory_space<vmem>>, vector<16xf32>,
      %add3A_214 = arith.addf %add3A_207, %get3A_213 : vector<16xf32>
      %mul3A_215 = arith.constant 16 : i32
      %mul3A_216 = arith.muli %scan3A_62, %mul3A_215 : i32
      %add3A_217 = arith.constant 6006 : i32
      %add3A_218 = arith.addi %add3A_217, %mul3A_216 : i32
      %get3A_219 = arith.index_cast %add3A_218 : i32 to index
      %get3A_220 = tpu.vector_load %arg8[%get3A_219] {strides = array<i32>} : memref<17488xf32, #tpu.memory_space<vmem>>, vector<16xf32>,
      %add3A_221 = arith.addf %add3A_214, %get3A_220 : vector<16xf32>
      %mul3A_222 = arith.constant 16 : i32
      %mul3A_223 = arith.muli %scan3A_62, %mul3A_222 : i32
      %add3A_224 = arith.constant 6279 : i32
      %add3A_225 = arith.addi %add3A_224, %mul3A_223 : i32
      %get3A_226 = arith.index_cast %add3A_225 : i32 to index
      %get3A_227 = tpu.vector_load %arg8[%get3A_226] {strides = array<i32>} : memref<17488xf32, #tpu.memory_space<vmem>>, vector<16xf32>,
      %add3A_228 = arith.addf %add3A_221, %get3A_227 : vector<16xf32>
      %mul3A_229 = arith.constant 16 : i32
      %mul3A_230 = arith.muli %scan3A_62, %mul3A_229 : i32
      %add3A_231 = arith.constant 6552 : i32
      %add3A_232 = arith.addi %add3A_231, %mul3A_230 : i32
      %get3A_233 = arith.index_cast %add3A_232 : i32 to index
      %get3A_234 = tpu.vector_load %arg8[%get3A_233] {strides = array<i32>} : memref<17488xf32, #tpu.memory_space<vmem>>, vector<16xf32>,
      %add3A_235 = arith.addf %add3A_228, %get3A_234 : vector<16xf32>
      %mul3A_236 = arith.constant 16 : i32
      %mul3A_237 = arith.muli %scan3A_62, %mul3A_236 : i32
      %add3A_238 = arith.constant 6825 : i32
      %add3A_239 = arith.addi %add3A_238, %mul3A_237 : i32
      %get3A_240 = arith.index_cast %add3A_239 : i32 to index
      %get3A_241 = tpu.vector_load %arg8[%get3A_240] {strides = array<i32>} : memref<17488xf32, #tpu.memory_space<vmem>>, vector<16xf32>,
      %add3A_242 = arith.addf %add3A_235, %get3A_241 : vector<16xf32>
      %mul3A_243 = arith.constant 16 : i32
      %mul3A_244 = arith.muli %scan3A_62, %mul3A_243 : i32
      %add3A_245 = arith.constant 7098 : i32
      %add3A_246 = arith.addi %add3A_245, %mul3A_244 : i32
      %get3A_247 = arith.index_cast %add3A_246 : i32 to index
      %get3A_248 = tpu.vector_load %arg8[%get3A_247] {strides = array<i32>} : memref<17488xf32, #tpu.memory_space<vmem>>, vector<16xf32>,
      %add3A_249 = arith.addf %add3A_242, %get3A_248 : vector<16xf32>
      %mul3A_250 = arith.constant 16 : i32
      %mul3A_251 = arith.muli %scan3A_62, %mul3A_250 : i32
      %add3A_252 = arith.constant 7371 : i32
      %add3A_253 = arith.addi %add3A_252, %mul3A_251 : i32
      %get3A_254 = arith.index_cast %add3A_253 : i32 to index
      %get3A_255 = tpu.vector_load %arg8[%get3A_254] {strides = array<i32>} : memref<17488xf32, #tpu.memory_space<vmem>>, vector<16xf32>,
      %add3A_256 = arith.addf %add3A_249, %get3A_255 : vector<16xf32>
      %mul3A_257 = arith.constant 16 : i32
      %mul3A_258 = arith.muli %scan3A_62, %mul3A_257 : i32
      %add3A_259 = arith.constant 7644 : i32
      %add3A_260 = arith.addi %add3A_259, %mul3A_258 : i32
      %get3A_261 = arith.index_cast %add3A_260 : i32 to index
      %get3A_262 = tpu.vector_load %arg8[%get3A_261] {strides = array<i32>} : memref<17488xf32, #tpu.memory_space<vmem>>, vector<16xf32>,
      %add3A_263 = arith.addf %add3A_256, %get3A_262 : vector<16xf32>
      %mul3A_264 = arith.constant 16 : i32
      %mul3A_265 = arith.muli %scan3A_62, %mul3A_264 : i32
      %add3A_266 = arith.constant 7917 : i32
      %add3A_267 = arith.addi %add3A_266, %mul3A_265 : i32
      %get3A_268 = arith.index_cast %add3A_267 : i32 to index
      %get3A_269 = tpu.vector_load %arg8[%get3A_268] {strides = array<i32>} : memref<17488xf32, #tpu.memory_space<vmem>>, vector<16xf32>,
      %add3A_270 = arith.addf %add3A_263, %get3A_269 : vector<16xf32>
      %mul3A_271 = arith.constant 16 : i32
      %mul3A_272 = arith.muli %scan3A_62, %mul3A_271 : i32
      %add3A_273 = arith.constant 8190 : i32
      %add3A_274 = arith.addi %add3A_273, %mul3A_272 : i32
      %get3A_275 = arith.index_cast %add3A_274 : i32 to index
      %get3A_276 = tpu.vector_load %arg8[%get3A_275] {strides = array<i32>} : memref<17488xf32, #tpu.memory_space<vmem>>, vector<16xf32>,
      %add3A_277 = arith.addf %add3A_270, %get3A_276 : vector<16xf32>
      %mul3A_278 = arith.constant 16 : i32
      %mul3A_279 = arith.muli %scan3A_62, %mul3A_278 : i32
      %add3A_280 = arith.constant 8463 : i32
      %add3A_281 = arith.addi %add3A_280, %mul3A_279 : i32
      %get3A_282 = arith.index_cast %add3A_281 : i32 to index
      %get3A_283 = tpu.vector_load %arg8[%get3A_282] {strides = array<i32>} : memref<17488xf32, #tpu.memory_space<vmem>>, vector<16xf32>,
      %add3A_284 = arith.addf %add3A_277, %get3A_283 : vector<16xf32>
      %mul3A_285 = arith.constant 16 : i32
      %mul3A_286 = arith.muli %scan3A_62, %mul3A_285 : i32
      %add3A_287 = arith.constant 8736 : i32
      %add3A_288 = arith.addi %add3A_287, %mul3A_286 : i32
      %get3A_289 = arith.index_cast %add3A_288 : i32 to index
      %get3A_290 = tpu.vector_load %arg8[%get3A_289] {strides = array<i32>} : memref<17488xf32, #tpu.memory_space<vmem>>, vector<16xf32>,
      %add3A_291 = arith.addf %add3A_284, %get3A_290 : vector<16xf32>
      %mul3A_292 = arith.constant 16 : i32
      %mul3A_293 = arith.muli %scan3A_62, %mul3A_292 : i32
      %add3A_294 = arith.constant 9009 : i32
      %add3A_295 = arith.addi %add3A_294, %mul3A_293 : i32
      %get3A_296 = arith.index_cast %add3A_295 : i32 to index
      %get3A_297 = tpu.vector_load %arg8[%get3A_296] {strides = array<i32>} : memref<17488xf32, #tpu.memory_space<vmem>>, vector<16xf32>,
      %add3A_298 = arith.addf %add3A_291, %get3A_297 : vector<16xf32>
      %mul3A_299 = arith.constant 16 : i32
      %mul3A_300 = arith.muli %scan3A_62, %mul3A_299 : i32
      %add3A_301 = arith.constant 9282 : i32
      %add3A_302 = arith.addi %add3A_301, %mul3A_300 : i32
      %get3A_303 = arith.index_cast %add3A_302 : i32 to index
      %get3A_304 = tpu.vector_load %arg8[%get3A_303] {strides = array<i32>} : memref<17488xf32, #tpu.memory_space<vmem>>, vector<16xf32>,
      %add3A_305 = arith.addf %add3A_298, %get3A_304 : vector<16xf32>
      %mul3A_306 = arith.constant 16 : i32
      %mul3A_307 = arith.muli %scan3A_62, %mul3A_306 : i32
      %add3A_308 = arith.constant 9555 : i32
      %add3A_309 = arith.addi %add3A_308, %mul3A_307 : i32
      %get3A_310 = arith.index_cast %add3A_309 : i32 to index
      %get3A_311 = tpu.vector_load %arg8[%get3A_310] {strides = array<i32>} : memref<17488xf32, #tpu.memory_space<vmem>>, vector<16xf32>,
      %add3A_312 = arith.addf %add3A_305, %get3A_311 : vector<16xf32>
      %mul3A_313 = arith.constant 16 : i32
      %mul3A_314 = arith.muli %scan3A_62, %mul3A_313 : i32
      %add3A_315 = arith.constant 9828 : i32
      %add3A_316 = arith.addi %add3A_315, %mul3A_314 : i32
      %get3A_317 = arith.index_cast %add3A_316 : i32 to index
      %get3A_318 = tpu.vector_load %arg8[%get3A_317] {strides = array<i32>} : memref<17488xf32, #tpu.memory_space<vmem>>, vector<16xf32>,
      %add3A_319 = arith.addf %add3A_312, %get3A_318 : vector<16xf32>
      %mul3A_320 = arith.constant 16 : i32
      %mul3A_321 = arith.muli %scan3A_62, %mul3A_320 : i32
      %add3A_322 = arith.constant 10101 : i32
      %add3A_323 = arith.addi %add3A_322, %mul3A_321 : i32
      %get3A_324 = arith.index_cast %add3A_323 : i32 to index
      %get3A_325 = tpu.vector_load %arg8[%get3A_324] {strides = array<i32>} : memref<17488xf32, #tpu.memory_space<vmem>>, vector<16xf32>,
      %add3A_326 = arith.addf %add3A_319, %get3A_325 : vector<16xf32>
      %mul3A_327 = arith.constant 16 : i32
      %mul3A_328 = arith.muli %scan3A_62, %mul3A_327 : i32
      %add3A_329 = arith.constant 10374 : i32
      %add3A_330 = arith.addi %add3A_329, %mul3A_328 : i32
      %get3A_331 = arith.index_cast %add3A_330 : i32 to index
      %get3A_332 = tpu.vector_load %arg8[%get3A_331] {strides = array<i32>} : memref<17488xf32, #tpu.memory_space<vmem>>, vector<16xf32>,
      %add3A_333 = arith.addf %add3A_326, %get3A_332 : vector<16xf32>
      %mul3A_334 = arith.constant 16 : i32
      %mul3A_335 = arith.muli %scan3A_62, %mul3A_334 : i32
      %add3A_336 = arith.constant 10647 : i32
      %add3A_337 = arith.addi %add3A_336, %mul3A_335 : i32
      %get3A_338 = arith.index_cast %add3A_337 : i32 to index
      %get3A_339 = tpu.vector_load %arg8[%get3A_338] {strides = array<i32>} : memref<17488xf32, #tpu.memory_space<vmem>>, vector<16xf32>,
      %add3A_340 = arith.addf %add3A_333, %get3A_339 : vector<16xf32>
      %mul3A_341 = arith.constant 16 : i32
      %mul3A_342 = arith.muli %scan3A_62, %mul3A_341 : i32
      %add3A_343 = arith.constant 10920 : i32
      %add3A_344 = arith.addi %add3A_343, %mul3A_342 : i32
      %get3A_345 = arith.index_cast %add3A_344 : i32 to index
      %get3A_346 = tpu.vector_load %arg8[%get3A_345] {strides = array<i32>} : memref<17488xf32, #tpu.memory_space<vmem>>, vector<16xf32>,
      %add3A_347 = arith.addf %add3A_340, %get3A_346 : vector<16xf32>
      %mul3A_348 = arith.constant 16 : i32
      %mul3A_349 = arith.muli %scan3A_62, %mul3A_348 : i32
      %add3A_350 = arith.constant 11193 : i32
      %add3A_351 = arith.addi %add3A_350, %mul3A_349 : i32
      %get3A_352 = arith.index_cast %add3A_351 : i32 to index
      %get3A_353 = tpu.vector_load %arg8[%get3A_352] {strides = array<i32>} : memref<17488xf32, #tpu.memory_space<vmem>>, vector<16xf32>,
      %add3A_354 = arith.addf %add3A_347, %get3A_353 : vector<16xf32>
      %mul3A_355 = arith.constant 16 : i32
      %mul3A_356 = arith.muli %scan3A_62, %mul3A_355 : i32
      %add3A_357 = arith.constant 11466 : i32
      %add3A_358 = arith.addi %add3A_357, %mul3A_356 : i32
      %get3A_359 = arith.index_cast %add3A_358 : i32 to index
      %get3A_360 = tpu.vector_load %arg8[%get3A_359] {strides = array<i32>} : memref<17488xf32, #tpu.memory_space<vmem>>, vector<16xf32>,
      %add3A_361 = arith.addf %add3A_354, %get3A_360 : vector<16xf32>
      %mul3A_362 = arith.constant 16 : i32
      %mul3A_363 = arith.muli %scan3A_62, %mul3A_362 : i32
      %add3A_364 = arith.constant 11739 : i32
      %add3A_365 = arith.addi %add3A_364, %mul3A_363 : i32
      %get3A_366 = arith.index_cast %add3A_365 : i32 to index
      %get3A_367 = tpu.vector_load %arg8[%get3A_366] {strides = array<i32>} : memref<17488xf32, #tpu.memory_space<vmem>>, vector<16xf32>,
      %add3A_368 = arith.addf %add3A_361, %get3A_367 : vector<16xf32>
      %mul3A_369 = arith.constant 16 : i32
      %mul3A_370 = arith.muli %scan3A_62, %mul3A_369 : i32
      %add3A_371 = arith.constant 12012 : i32
      %add3A_372 = arith.addi %add3A_371, %mul3A_370 : i32
      %get3A_373 = arith.index_cast %add3A_372 : i32 to index
      %get3A_374 = tpu.vector_load %arg8[%get3A_373] {strides = array<i32>} : memref<17488xf32, #tpu.memory_space<vmem>>, vector<16xf32>,
      %add3A_375 = arith.addf %add3A_368, %get3A_374 : vector<16xf32>
      %mul3A_376 = arith.constant 16 : i32
      %mul3A_377 = arith.muli %scan3A_62, %mul3A_376 : i32
      %add3A_378 = arith.constant 12285 : i32
      %add3A_379 = arith.addi %add3A_378, %mul3A_377 : i32
      %get3A_380 = arith.index_cast %add3A_379 : i32 to index
      %get3A_381 = tpu.vector_load %arg8[%get3A_380] {strides = array<i32>} : memref<17488xf32, #tpu.memory_space<vmem>>, vector<16xf32>,
      %add3A_382 = arith.addf %add3A_375, %get3A_381 : vector<16xf32>
      %mul3A_383 = arith.constant 16 : i32
      %mul3A_384 = arith.muli %scan3A_62, %mul3A_383 : i32
      %add3A_385 = arith.constant 12558 : i32
      %add3A_386 = arith.addi %add3A_385, %mul3A_384 : i32
      %get3A_387 = arith.index_cast %add3A_386 : i32 to index
      %get3A_388 = tpu.vector_load %arg8[%get3A_387] {strides = array<i32>} : memref<17488xf32, #tpu.memory_space<vmem>>, vector<16xf32>,
      %add3A_389 = arith.addf %add3A_382, %get3A_388 : vector<16xf32>
      %mul3A_390 = arith.constant 16 : i32
      %mul3A_391 = arith.muli %scan3A_62, %mul3A_390 : i32
      %add3A_392 = arith.constant 12831 : i32
      %add3A_393 = arith.addi %add3A_392, %mul3A_391 : i32
      %get3A_394 = arith.index_cast %add3A_393 : i32 to index
      %get3A_395 = tpu.vector_load %arg8[%get3A_394] {strides = array<i32>} : memref<17488xf32, #tpu.memory_space<vmem>>, vector<16xf32>,
      %add3A_396 = arith.addf %add3A_389, %get3A_395 : vector<16xf32>
      %mul3A_397 = arith.constant 16 : i32
      %mul3A_398 = arith.muli %scan3A_62, %mul3A_397 : i32
      %add3A_399 = arith.constant 13104 : i32
      %add3A_400 = arith.addi %add3A_399, %mul3A_398 : i32
      %get3A_401 = arith.index_cast %add3A_400 : i32 to index
      %get3A_402 = tpu.vector_load %arg8[%get3A_401] {strides = array<i32>} : memref<17488xf32, #tpu.memory_space<vmem>>, vector<16xf32>,
      %add3A_403 = arith.addf %add3A_396, %get3A_402 : vector<16xf32>
      %mul3A_404 = arith.constant 16 : i32
      %mul3A_405 = arith.muli %scan3A_62, %mul3A_404 : i32
      %add3A_406 = arith.constant 13377 : i32
      %add3A_407 = arith.addi %add3A_406, %mul3A_405 : i32
      %get3A_408 = arith.index_cast %add3A_407 : i32 to index
      %get3A_409 = tpu.vector_load %arg8[%get3A_408] {strides = array<i32>} : memref<17488xf32, #tpu.memory_space<vmem>>, vector<16xf32>,
      %add3A_410 = arith.addf %add3A_403, %get3A_409 : vector<16xf32>
      %mul3A_411 = arith.constant 16 : i32
      %mul3A_412 = arith.muli %scan3A_62, %mul3A_411 : i32
      %add3A_413 = arith.constant 13650 : i32
      %add3A_414 = arith.addi %add3A_413, %mul3A_412 : i32
      %get3A_415 = arith.index_cast %add3A_414 : i32 to index
      %get3A_416 = tpu.vector_load %arg8[%get3A_415] {strides = array<i32>} : memref<17488xf32, #tpu.memory_space<vmem>>, vector<16xf32>,
      %add3A_417 = arith.addf %add3A_410, %get3A_416 : vector<16xf32>
      %mul3A_418 = arith.constant 16 : i32
      %mul3A_419 = arith.muli %scan3A_62, %mul3A_418 : i32
      %add3A_420 = arith.constant 13923 : i32
      %add3A_421 = arith.addi %add3A_420, %mul3A_419 : i32
      %get3A_422 = arith.index_cast %add3A_421 : i32 to index
      %get3A_423 = tpu.vector_load %arg8[%get3A_422] {strides = array<i32>} : memref<17488xf32, #tpu.memory_space<vmem>>, vector<16xf32>,
      %add3A_424 = arith.addf %add3A_417, %get3A_423 : vector<16xf32>
      %mul3A_425 = arith.constant 16 : i32
      %mul3A_426 = arith.muli %scan3A_62, %mul3A_425 : i32
      %add3A_427 = arith.constant 14196 : i32
      %add3A_428 = arith.addi %add3A_427, %mul3A_426 : i32
      %get3A_429 = arith.index_cast %add3A_428 : i32 to index
      %get3A_430 = tpu.vector_load %arg8[%get3A_429] {strides = array<i32>} : memref<17488xf32, #tpu.memory_space<vmem>>, vector<16xf32>,
      %add3A_431 = arith.addf %add3A_424, %get3A_430 : vector<16xf32>
      %mul3A_432 = arith.constant 16 : i32
      %mul3A_433 = arith.muli %scan3A_62, %mul3A_432 : i32
      %add3A_434 = arith.constant 14469 : i32
      %add3A_435 = arith.addi %add3A_434, %mul3A_433 : i32
      %get3A_436 = arith.index_cast %add3A_435 : i32 to index
      %get3A_437 = tpu.vector_load %arg8[%get3A_436] {strides = array<i32>} : memref<17488xf32, #tpu.memory_space<vmem>>, vector<16xf32>,
      %add3A_438 = arith.addf %add3A_431, %get3A_437 : vector<16xf32>
      %mul3A_439 = arith.constant 16 : i32
      %mul3A_440 = arith.muli %scan3A_62, %mul3A_439 : i32
      %add3A_441 = arith.constant 14742 : i32
      %add3A_442 = arith.addi %add3A_441, %mul3A_440 : i32
      %get3A_443 = arith.index_cast %add3A_442 : i32 to index
      %get3A_444 = tpu.vector_load %arg8[%get3A_443] {strides = array<i32>} : memref<17488xf32, #tpu.memory_space<vmem>>, vector<16xf32>,
      %add3A_445 = arith.addf %add3A_438, %get3A_444 : vector<16xf32>
      %mul3A_446 = arith.constant 16 : i32
      %mul3A_447 = arith.muli %scan3A_62, %mul3A_446 : i32
      %add3A_448 = arith.constant 15015 : i32
      %add3A_449 = arith.addi %add3A_448, %mul3A_447 : i32
      %get3A_450 = arith.index_cast %add3A_449 : i32 to index
      %get3A_451 = tpu.vector_load %arg8[%get3A_450] {strides = array<i32>} : memref<17488xf32, #tpu.memory_space<vmem>>, vector<16xf32>,
      %add3A_452 = arith.addf %add3A_445, %get3A_451 : vector<16xf32>
      %mul3A_453 = arith.constant 16 : i32
      %mul3A_454 = arith.muli %scan3A_62, %mul3A_453 : i32
      %add3A_455 = arith.constant 15288 : i32
      %add3A_456 = arith.addi %add3A_455, %mul3A_454 : i32
      %get3A_457 = arith.index_cast %add3A_456 : i32 to index
      %get3A_458 = tpu.vector_load %arg8[%get3A_457] {strides = array<i32>} : memref<17488xf32, #tpu.memory_space<vmem>>, vector<16xf32>,
      %add3A_459 = arith.addf %add3A_452, %get3A_458 : vector<16xf32>
      %mul3A_460 = arith.constant 16 : i32
      %mul3A_461 = arith.muli %scan3A_62, %mul3A_460 : i32
      %add3A_462 = arith.constant 15561 : i32
      %add3A_463 = arith.addi %add3A_462, %mul3A_461 : i32
      %get3A_464 = arith.index_cast %add3A_463 : i32 to index
      %get3A_465 = tpu.vector_load %arg8[%get3A_464] {strides = array<i32>} : memref<17488xf32, #tpu.memory_space<vmem>>, vector<16xf32>,
      %add3A_466 = arith.addf %add3A_459, %get3A_465 : vector<16xf32>
      %mul3A_467 = arith.constant 16 : i32
      %mul3A_468 = arith.muli %scan3A_62, %mul3A_467 : i32
      %add3A_469 = arith.constant 15834 : i32
      %add3A_470 = arith.addi %add3A_469, %mul3A_468 : i32
      %get3A_471 = arith.index_cast %add3A_470 : i32 to index
      %get3A_472 = tpu.vector_load %arg8[%get3A_471] {strides = array<i32>} : memref<17488xf32, #tpu.memory_space<vmem>>, vector<16xf32>,
      %add3A_473 = arith.addf %add3A_466, %get3A_472 : vector<16xf32>
      %mul3A_474 = arith.constant 16 : i32
      %mul3A_475 = arith.muli %scan3A_62, %mul3A_474 : i32
      %add3A_476 = arith.constant 16107 : i32
      %add3A_477 = arith.addi %add3A_476, %mul3A_475 : i32
      %get3A_478 = arith.index_cast %add3A_477 : i32 to index
      %get3A_479 = tpu.vector_load %arg8[%get3A_478] {strides = array<i32>} : memref<17488xf32, #tpu.memory_space<vmem>>, vector<16xf32>,
      %add3A_480 = arith.addf %add3A_473, %get3A_479 : vector<16xf32>
      %mul3A_481 = arith.constant 16 : i32
      %mul3A_482 = arith.muli %scan3A_62, %mul3A_481 : i32
      %add3A_483 = arith.constant 16380 : i32
      %add3A_484 = arith.addi %add3A_483, %mul3A_482 : i32
      %get3A_485 = arith.index_cast %add3A_484 : i32 to index
      %get3A_486 = tpu.vector_load %arg8[%get3A_485] {strides = array<i32>} : memref<17488xf32, #tpu.memory_space<vmem>>, vector<16xf32>,
      %add3A_487 = arith.addf %add3A_480, %get3A_486 : vector<16xf32>
      %mul3A_488 = arith.constant 16 : i32
      %mul3A_489 = arith.muli %scan3A_62, %mul3A_488 : i32
      %add3A_490 = arith.constant 16653 : i32
      %add3A_491 = arith.addi %add3A_490, %mul3A_489 : i32
      %get3A_492 = arith.index_cast %add3A_491 : i32 to index
      %get3A_493 = tpu.vector_load %arg8[%get3A_492] {strides = array<i32>} : memref<17488xf32, #tpu.memory_space<vmem>>, vector<16xf32>,
      %add3A_494 = arith.addf %add3A_487, %get3A_493 : vector<16xf32>
      %mul3A_495 = arith.constant 16 : i32
      %mul3A_496 = arith.muli %scan3A_62, %mul3A_495 : i32
      %add3A_497 = arith.constant 16926 : i32
      %add3A_498 = arith.addi %add3A_497, %mul3A_496 : i32
      %get3A_499 = arith.index_cast %add3A_498 : i32 to index
      %get3A_500 = tpu.vector_load %arg8[%get3A_499] {strides = array<i32>} : memref<17488xf32, #tpu.memory_space<vmem>>, vector<16xf32>,
      %add3A_501 = arith.addf %add3A_494, %get3A_500 : vector<16xf32>
      %mul3A_502 = arith.constant 16 : i32
      %mul3A_503 = arith.muli %scan3A_62, %mul3A_502 : i32
      %add3A_504 = arith.constant 17199 : i32
      %add3A_505 = arith.addi %add3A_504, %mul3A_503 : i32
      %get3A_506 = arith.index_cast %add3A_505 : i32 to index
      %get3A_507 = tpu.vector_load %arg8[%get3A_506] {strides = array<i32>} : memref<17488xf32, #tpu.memory_space<vmem>>, vector<16xf32>,
      %add3A_508 = arith.addf %add3A_501, %get3A_507 : vector<16xf32>
      %mul3A_509 = arith.constant 16 : i32
      %mul3A_510 = arith.muli %scan3A_62, %mul3A_509 : i32
      %swap3A = arith.index_cast %mul3A_510 : i32 to index
      %swap3A_511 = tpu.vector_load %arg9[%swap3A] {strides = array<i32>} : memref<256xf32, #tpu.memory_space<vmem>>, vector<16xf32>,
      tpu.vector_store %arg9[%swap3A], %add3A_508 {strides = array<i32>} : memref<256xf32, #tpu.memory_space<vmem>>, vector<16xf32>,
      %scan3A_512 = arith.constant 0 : i32
      scf.yield %scan3A_512 : i32
    }
    %scan3A_59 = arith.constant 16 : i32
    %mul3A_60 = arith.constant 256 : i32
    %mul3A_61 = arith.muli %add3A, %mul3A_60 : i32
    "tpu.region"() ({
      %run_scoped3A = tpu.sem_alloc : memref<!tpu.dma_semaphore, #tpu.memory_space<semaphore_mem>>
      %dma_start3A_62 = tpu.memref_slice %arg5[%mul3A_61] : memref<8192xf32, #tpu.memory_space<hbm>> -> memref<256xf32, #tpu.memory_space<hbm>>
      %dma_start3A_63 = tpu.memref_slice %arg5[%mul3A_61] : memref<8192xf32, #tpu.memory_space<hbm>> -> memref<256xf32, #tpu.memory_space<hbm>>
      tpu.enqueue_dma source(%arg9 : memref<256xf32, #tpu.memory_space<vmem>>) target(%dma_start3A_63 : memref<256xf32, #tpu.memory_space<hbm>>) target_semaphore(%run_scoped3A : memref<!tpu.dma_semaphore, #tpu.memory_space<semaphore_mem>>)
      %dma_wait3A = tpu.memref_slice %arg5[%mul3A_61] : memref<8192xf32, #tpu.memory_space<hbm>> -> memref<256xf32, #tpu.memory_space<hbm>>
      %dma_wait3A_64 = tpu.memref_slice %arg5[%mul3A_61] : memref<8192xf32, #tpu.memory_space<hbm>> -> memref<256xf32, #tpu.memory_space<hbm>>
      tpu.wait_dma2 semaphore(%run_scoped3A : memref<!tpu.dma_semaphore, #tpu.memory_space<semaphore_mem>>) src(%arg9 : memref<256xf32, #tpu.memory_space<vmem>>) dst(%dma_wait3A_64 : memref<256xf32, #tpu.memory_space<hbm>>)
      tpu.yield
    }) : () -> ()
    return
  }
}

module attributes {stable_mosaic.version = 14 : i64} {
  func.func @_otsu_body(%arg0: memref<32x256xf32, #tpu.memory_space<vmem>>, %arg1: memref<32x256xf32, #tpu.memory_space<vmem>>, %arg2: memref<32x8x128xf32, #tpu.memory_space<vmem>>) attributes {dimension_semantics = [], scalar_prefetch = 0 : i64, scratch_operands = 0 : i64, tpu.core_type = #tpu.core_type<tc>} {
    %get3A = arith.constant 0 : index
    %get3A_0 = arith.constant 0 : index
    %get3A_1 = vector.load %arg0[%get3A, %get3A_0] : memref<32x256xf32, #tpu.memory_space<vmem>>, vector<32x256xf32>
    %get3A_2 = arith.constant 0 : index
    %get3A_3 = arith.constant 0 : index
    %get3A_4 = vector.load %arg1[%get3A_2, %get3A_3] : memref<32x256xf32, #tpu.memory_space<vmem>>, vector<32x256xf32>
    %iota3A = tpu.iota {dimensions = array<i32: 1>} : vector<32x256xi32>
    %mul3A = arith.mulf %get3A_1, %get3A_4 : vector<32x256xf32>
    %broadcast_in_dim3A = arith.constant 0.000000e+00 : f32
    %broadcast_in_dim3A_5 = vector.broadcast %broadcast_in_dim3A : f32 to vector<32x1xf32>
    %slice3A = vector.extract_strided_slice %get3A_1 {offsets = [0, 0], sizes = [32, 255], strides = [1, 1]} : vector<32x256xf32> to vector<32x255xf32>
    %concatenate3A = tpu.concatenate %broadcast_in_dim3A_5, %slice3A in 1 : vector<32x1xf32>, vector<32x255xf32> -> vector<32x256xf32>
    %add3A = arith.addf %get3A_1, %concatenate3A : vector<32x256xf32>
    %broadcast_in_dim3A_6 = arith.constant 0.000000e+00 : f32
    %broadcast_in_dim3A_7 = vector.broadcast %broadcast_in_dim3A_6 : f32 to vector<32x2xf32>
    %slice3A_8 = vector.extract_strided_slice %add3A {offsets = [0, 0], sizes = [32, 254], strides = [1, 1]} : vector<32x256xf32> to vector<32x254xf32>
    %concatenate3A_9 = tpu.concatenate %broadcast_in_dim3A_7, %slice3A_8 in 1 : vector<32x2xf32>, vector<32x254xf32> -> vector<32x256xf32>
    %add3A_10 = arith.addf %add3A, %concatenate3A_9 : vector<32x256xf32>
    %broadcast_in_dim3A_11 = arith.constant 0.000000e+00 : f32
    %broadcast_in_dim3A_12 = vector.broadcast %broadcast_in_dim3A_11 : f32 to vector<32x4xf32>
    %slice3A_13 = vector.extract_strided_slice %add3A_10 {offsets = [0, 0], sizes = [32, 252], strides = [1, 1]} : vector<32x256xf32> to vector<32x252xf32>
    %concatenate3A_14 = tpu.concatenate %broadcast_in_dim3A_12, %slice3A_13 in 1 : vector<32x4xf32>, vector<32x252xf32> -> vector<32x256xf32>
    %add3A_15 = arith.addf %add3A_10, %concatenate3A_14 : vector<32x256xf32>
    %broadcast_in_dim3A_16 = arith.constant 0.000000e+00 : f32
    %broadcast_in_dim3A_17 = vector.broadcast %broadcast_in_dim3A_16 : f32 to vector<32x8xf32>
    %slice3A_18 = vector.extract_strided_slice %add3A_15 {offsets = [0, 0], sizes = [32, 248], strides = [1, 1]} : vector<32x256xf32> to vector<32x248xf32>
    %concatenate3A_19 = tpu.concatenate %broadcast_in_dim3A_17, %slice3A_18 in 1 : vector<32x8xf32>, vector<32x248xf32> -> vector<32x256xf32>
    %add3A_20 = arith.addf %add3A_15, %concatenate3A_19 : vector<32x256xf32>
    %broadcast_in_dim3A_21 = arith.constant 0.000000e+00 : f32
    %broadcast_in_dim3A_22 = vector.broadcast %broadcast_in_dim3A_21 : f32 to vector<32x16xf32>
    %slice3A_23 = vector.extract_strided_slice %add3A_20 {offsets = [0, 0], sizes = [32, 240], strides = [1, 1]} : vector<32x256xf32> to vector<32x240xf32>
    %concatenate3A_24 = tpu.concatenate %broadcast_in_dim3A_22, %slice3A_23 in 1 : vector<32x16xf32>, vector<32x240xf32> -> vector<32x256xf32>
    %add3A_25 = arith.addf %add3A_20, %concatenate3A_24 : vector<32x256xf32>
    %broadcast_in_dim3A_26 = arith.constant 0.000000e+00 : f32
    %broadcast_in_dim3A_27 = vector.broadcast %broadcast_in_dim3A_26 : f32 to vector<32x32xf32>
    %slice3A_28 = vector.extract_strided_slice %add3A_25 {offsets = [0, 0], sizes = [32, 224], strides = [1, 1]} : vector<32x256xf32> to vector<32x224xf32>
    %concatenate3A_29 = tpu.concatenate %broadcast_in_dim3A_27, %slice3A_28 in 1 : vector<32x32xf32>, vector<32x224xf32> -> vector<32x256xf32>
    %add3A_30 = arith.addf %add3A_25, %concatenate3A_29 : vector<32x256xf32>
    %broadcast_in_dim3A_31 = arith.constant 0.000000e+00 : f32
    %broadcast_in_dim3A_32 = vector.broadcast %broadcast_in_dim3A_31 : f32 to vector<32x64xf32>
    %slice3A_33 = vector.extract_strided_slice %add3A_30 {offsets = [0, 0], sizes = [32, 192], strides = [1, 1]} : vector<32x256xf32> to vector<32x192xf32>
    %concatenate3A_34 = tpu.concatenate %broadcast_in_dim3A_32, %slice3A_33 in 1 : vector<32x64xf32>, vector<32x192xf32> -> vector<32x256xf32>
    %add3A_35 = arith.addf %add3A_30, %concatenate3A_34 : vector<32x256xf32>
    %broadcast_in_dim3A_36 = arith.constant 0.000000e+00 : f32
    %broadcast_in_dim3A_37 = vector.broadcast %broadcast_in_dim3A_36 : f32 to vector<32x128xf32>
    %slice3A_38 = vector.extract_strided_slice %add3A_35 {offsets = [0, 0], sizes = [32, 128], strides = [1, 1]} : vector<32x256xf32> to vector<32x128xf32>
    %concatenate3A_39 = tpu.concatenate %broadcast_in_dim3A_37, %slice3A_38 in 1 : vector<32x128xf32>, vector<32x128xf32> -> vector<32x256xf32>
    %add3A_40 = arith.addf %add3A_35, %concatenate3A_39 : vector<32x256xf32>
    %broadcast_in_dim3A_41 = arith.constant 0.000000e+00 : f32
    %broadcast_in_dim3A_42 = vector.broadcast %broadcast_in_dim3A_41 : f32 to vector<32x1xf32>
    %slice3A_43 = vector.extract_strided_slice %mul3A {offsets = [0, 0], sizes = [32, 255], strides = [1, 1]} : vector<32x256xf32> to vector<32x255xf32>
    %concatenate3A_44 = tpu.concatenate %broadcast_in_dim3A_42, %slice3A_43 in 1 : vector<32x1xf32>, vector<32x255xf32> -> vector<32x256xf32>
    %add3A_45 = arith.addf %mul3A, %concatenate3A_44 : vector<32x256xf32>
    %broadcast_in_dim3A_46 = arith.constant 0.000000e+00 : f32
    %broadcast_in_dim3A_47 = vector.broadcast %broadcast_in_dim3A_46 : f32 to vector<32x2xf32>
    %slice3A_48 = vector.extract_strided_slice %add3A_45 {offsets = [0, 0], sizes = [32, 254], strides = [1, 1]} : vector<32x256xf32> to vector<32x254xf32>
    %concatenate3A_49 = tpu.concatenate %broadcast_in_dim3A_47, %slice3A_48 in 1 : vector<32x2xf32>, vector<32x254xf32> -> vector<32x256xf32>
    %add3A_50 = arith.addf %add3A_45, %concatenate3A_49 : vector<32x256xf32>
    %broadcast_in_dim3A_51 = arith.constant 0.000000e+00 : f32
    %broadcast_in_dim3A_52 = vector.broadcast %broadcast_in_dim3A_51 : f32 to vector<32x4xf32>
    %slice3A_53 = vector.extract_strided_slice %add3A_50 {offsets = [0, 0], sizes = [32, 252], strides = [1, 1]} : vector<32x256xf32> to vector<32x252xf32>
    %concatenate3A_54 = tpu.concatenate %broadcast_in_dim3A_52, %slice3A_53 in 1 : vector<32x4xf32>, vector<32x252xf32> -> vector<32x256xf32>
    %add3A_55 = arith.addf %add3A_50, %concatenate3A_54 : vector<32x256xf32>
    %broadcast_in_dim3A_56 = arith.constant 0.000000e+00 : f32
    %broadcast_in_dim3A_57 = vector.broadcast %broadcast_in_dim3A_56 : f32 to vector<32x8xf32>
    %slice3A_58 = vector.extract_strided_slice %add3A_55 {offsets = [0, 0], sizes = [32, 248], strides = [1, 1]} : vector<32x256xf32> to vector<32x248xf32>
    %concatenate3A_59 = tpu.concatenate %broadcast_in_dim3A_57, %slice3A_58 in 1 : vector<32x8xf32>, vector<32x248xf32> -> vector<32x256xf32>
    %add3A_60 = arith.addf %add3A_55, %concatenate3A_59 : vector<32x256xf32>
    %broadcast_in_dim3A_61 = arith.constant 0.000000e+00 : f32
    %broadcast_in_dim3A_62 = vector.broadcast %broadcast_in_dim3A_61 : f32 to vector<32x16xf32>
    %slice3A_63 = vector.extract_strided_slice %add3A_60 {offsets = [0, 0], sizes = [32, 240], strides = [1, 1]} : vector<32x256xf32> to vector<32x240xf32>
    %concatenate3A_64 = tpu.concatenate %broadcast_in_dim3A_62, %slice3A_63 in 1 : vector<32x16xf32>, vector<32x240xf32> -> vector<32x256xf32>
    %add3A_65 = arith.addf %add3A_60, %concatenate3A_64 : vector<32x256xf32>
    %broadcast_in_dim3A_66 = arith.constant 0.000000e+00 : f32
    %broadcast_in_dim3A_67 = vector.broadcast %broadcast_in_dim3A_66 : f32 to vector<32x32xf32>
    %slice3A_68 = vector.extract_strided_slice %add3A_65 {offsets = [0, 0], sizes = [32, 224], strides = [1, 1]} : vector<32x256xf32> to vector<32x224xf32>
    %concatenate3A_69 = tpu.concatenate %broadcast_in_dim3A_67, %slice3A_68 in 1 : vector<32x32xf32>, vector<32x224xf32> -> vector<32x256xf32>
    %add3A_70 = arith.addf %add3A_65, %concatenate3A_69 : vector<32x256xf32>
    %broadcast_in_dim3A_71 = arith.constant 0.000000e+00 : f32
    %broadcast_in_dim3A_72 = vector.broadcast %broadcast_in_dim3A_71 : f32 to vector<32x64xf32>
    %slice3A_73 = vector.extract_strided_slice %add3A_70 {offsets = [0, 0], sizes = [32, 192], strides = [1, 1]} : vector<32x256xf32> to vector<32x192xf32>
    %concatenate3A_74 = tpu.concatenate %broadcast_in_dim3A_72, %slice3A_73 in 1 : vector<32x64xf32>, vector<32x192xf32> -> vector<32x256xf32>
    %add3A_75 = arith.addf %add3A_70, %concatenate3A_74 : vector<32x256xf32>
    %broadcast_in_dim3A_76 = arith.constant 0.000000e+00 : f32
    %broadcast_in_dim3A_77 = vector.broadcast %broadcast_in_dim3A_76 : f32 to vector<32x128xf32>
    %slice3A_78 = vector.extract_strided_slice %add3A_75 {offsets = [0, 0], sizes = [32, 128], strides = [1, 1]} : vector<32x256xf32> to vector<32x128xf32>
    %concatenate3A_79 = tpu.concatenate %broadcast_in_dim3A_77, %slice3A_78 in 1 : vector<32x128xf32>, vector<32x128xf32> -> vector<32x256xf32>
    %add3A_80 = arith.addf %add3A_75, %concatenate3A_79 : vector<32x256xf32>
    %slice3A_81 = vector.extract_strided_slice %add3A_40 {offsets = [0, 255], sizes = [32, 1], strides = [1, 1]} : vector<32x256xf32> to vector<32x1xf32>
    %slice3A_82 = vector.extract_strided_slice %add3A_80 {offsets = [0, 255], sizes = [32, 1], strides = [1, 1]} : vector<32x256xf32> to vector<32x1xf32>
    %sub3A = vector.broadcast %slice3A_81 : vector<32x1xf32> to vector<32x256xf32>
    %sub3A_83 = arith.subf %sub3A, %add3A_40 : vector<32x256xf32>
    %max3A = arith.constant 9.99999996E-13 : f32
    %max3A_84 = vector.broadcast %max3A : f32 to vector<32x256xf32>
    %max3A_85 = arith.maximumf %add3A_40, %max3A_84 : vector<32x256xf32>
    %div3A = arith.divf %add3A_80, %max3A_85 : vector<32x256xf32>
    %sub3A_86 = vector.broadcast %slice3A_82 : vector<32x1xf32> to vector<32x256xf32>
    %sub3A_87 = arith.subf %sub3A_86, %add3A_80 : vector<32x256xf32>
    %max3A_88 = arith.constant 9.99999996E-13 : f32
    %max3A_89 = vector.broadcast %max3A_88 : f32 to vector<32x256xf32>
    %max3A_90 = arith.maximumf %sub3A_83, %max3A_89 : vector<32x256xf32>
    %div3A_91 = arith.divf %sub3A_87, %max3A_90 : vector<32x256xf32>
    %mul3A_92 = arith.mulf %add3A_40, %sub3A_83 : vector<32x256xf32>
    %sub3A_93 = arith.subf %div3A, %div3A_91 : vector<32x256xf32>
    %integer_pow3A = arith.mulf %sub3A_93, %sub3A_93 : vector<32x256xf32>
    %mul3A_94 = arith.mulf %mul3A_92, %integer_pow3A : vector<32x256xf32>
    %lt3A = arith.constant 255 : i32
    %lt3A_95 = vector.broadcast %lt3A : i32 to vector<32x256xi32>
    %lt3A_96 = arith.cmpi slt, %iota3A, %lt3A_95 : vector<32x256xi32>
    %jit3A = arith.constant -1.000000e+00 : f32
    %broadcast_in_dim3A_97 = vector.broadcast %jit3A : f32 to vector<32x256xf32>
    %select_n3A = arith.select %lt3A_96, %mul3A_94, %broadcast_in_dim3A_97 : vector<32x256xi1>, vector<32x256xf32>
    %reduce_max3A = arith.constant dense<0xFF800000> : vector<32xf32>
    %reduce_max3A_98 = vector.multi_reduction <maximumf>, %select_n3A, %reduce_max3A [1] : vector<32x256xf32> to vector<32xf32>
    %broadcast_in_dim3A_99 = vector.shape_cast %reduce_max3A_98 : vector<32xf32> to vector<32x1xf32>
    %eq3A = vector.broadcast %broadcast_in_dim3A_99 : vector<32x1xf32> to vector<32x256xf32>
    %eq3A_100 = arith.cmpf oeq, %select_n3A, %eq3A : vector<32x256xf32>
    %jit3A_101 = arith.constant 256 : i32
    %broadcast_in_dim3A_102 = vector.broadcast %jit3A_101 : i32 to vector<32x256xi32>
    %select_n3A_103 = arith.select %eq3A_100, %iota3A, %broadcast_in_dim3A_102 : vector<32x256xi1>, vector<32x256xi32>
    %reduce_min3A = arith.constant dense<2147483647> : vector<32xi32>
    %reduce_min3A_104 = vector.multi_reduction <minsi>, %select_n3A_103, %reduce_min3A [1] : vector<32x256xi32> to vector<32xi32>
    %broadcast_in_dim3A_105 = vector.shape_cast %reduce_min3A_104 : vector<32xi32> to vector<32x1xi32>
    %eq3A_106 = vector.broadcast %broadcast_in_dim3A_105 : vector<32x1xi32> to vector<32x256xi32>
    %eq3A_107 = arith.cmpi eq, %iota3A, %eq3A_106 : vector<32x256xi32>
    %jit3A_108 = arith.constant 0.000000e+00 : f32
    %broadcast_in_dim3A_109 = vector.broadcast %jit3A_108 : f32 to vector<32x256xf32>
    %select_n3A_110 = arith.select %eq3A_107, %get3A_4, %broadcast_in_dim3A_109 : vector<32x256xi1>, vector<32x256xf32>
    %reduce_sum3A = arith.constant dense<0.000000e+00> : vector<32xf32>
    %reduce_sum3A_111 = vector.multi_reduction <add>, %select_n3A_110, %reduce_sum3A [1] : vector<32x256xf32> to vector<32xf32>
    %broadcast_in_dim3A_112 = vector.shape_cast %reduce_sum3A_111 : vector<32xf32> to vector<32x1xf32>
    %broadcast_in_dim3A_113 = vector.shape_cast %broadcast_in_dim3A_112 : vector<32x1xf32> to vector<32x1x1xf32>
    %broadcast_in_dim3A_114 = vector.shape_cast %broadcast_in_dim3A_113 : vector<32x1x1xf32> to vector<32x1x1xf32>
    %broadcast_in_dim3A_115 = vector.broadcast %broadcast_in_dim3A_114 : vector<32x1x1xf32> to vector<32x8x128xf32>
    %swap3A = arith.constant 0 : index
    %swap3A_116 = arith.constant 0 : index
    %swap3A_117 = arith.constant 0 : index
    %swap3A_118 = vector.load %arg2[%swap3A, %swap3A_116, %swap3A_117] : memref<32x8x128xf32, #tpu.memory_space<vmem>>, vector<32x8x128xf32>
    tpu.vector_store %arg2[%swap3A, %swap3A_116, %swap3A_117], %broadcast_in_dim3A_115 {strides = array<i32>} : memref<32x8x128xf32, #tpu.memory_space<vmem>>, vector<32x8x128xf32>,
    return
  }
}

module attributes {stable_mosaic.version = 14 : i64} {
  func.func @_gray_body(%arg0: i32, %arg1: memref<1x3x512x512xf32, #tpu.memory_space<vmem>>, %arg2: memref<1x512x512xf32, #tpu.memory_space<vmem>>, %arg3: memref<1x8x128xf32, #tpu.memory_space<vmem>>, %arg4: memref<1x8x128xf32, #tpu.memory_space<vmem>>) attributes {dimension_semantics = [#tpu.dimension_semantics<arbitrary>], iteration_bounds = array<i64: 32>, scalar_prefetch = 0 : i64, scratch_operands = 0 : i64, tpu.core_type = #tpu.core_type<tc>, window_params = [{transform_indices = @transform_0, window_bounds = array<i64: 1, 3, 512, 512>}, {transform_indices = @transform_1, window_bounds = array<i64: 1, 512, 512>}, {transform_indices = @transform_2, window_bounds = array<i64: 1, 8, 128>}, {transform_indices = @transform_3, window_bounds = array<i64: 1, 8, 128>}]} {
    %get3A = arith.constant 0 : index
    %get3A_0 = arith.constant 0 : index
    %get3A_1 = arith.constant 0 : index
    %get3A_2 = arith.constant 0 : index
    %get3A_3 = vector.load %arg1[%get3A, %get3A_0, %get3A_1, %get3A_2] : memref<1x3x512x512xf32, #tpu.memory_space<vmem>>, vector<1x1x512x512xf32>
    %get3A_4 = vector.shape_cast %get3A_3 : vector<1x1x512x512xf32> to vector<512x512xf32>
    %get3A_5 = arith.constant 0 : index
    %get3A_6 = arith.constant 1 : index
    %get3A_7 = arith.constant 0 : index
    %get3A_8 = arith.constant 0 : index
    %get3A_9 = vector.load %arg1[%get3A_5, %get3A_6, %get3A_7, %get3A_8] : memref<1x3x512x512xf32, #tpu.memory_space<vmem>>, vector<1x1x512x512xf32>
    %get3A_10 = vector.shape_cast %get3A_9 : vector<1x1x512x512xf32> to vector<512x512xf32>
    %get3A_11 = arith.constant 0 : index
    %get3A_12 = arith.constant 2 : index
    %get3A_13 = arith.constant 0 : index
    %get3A_14 = arith.constant 0 : index
    %get3A_15 = vector.load %arg1[%get3A_11, %get3A_12, %get3A_13, %get3A_14] : memref<1x3x512x512xf32, #tpu.memory_space<vmem>>, vector<1x1x512x512xf32>
    %get3A_16 = vector.shape_cast %get3A_15 : vector<1x1x512x512xf32> to vector<512x512xf32>
    %bitcast_convert_type3A = tpu.bitcast %get3A_4 : vector<512x512xf32> -> vector<512x512xi32>
    %shift_right_logical3A = arith.constant 16 : i32
    %shift_right_logical3A_17 = vector.broadcast %shift_right_logical3A : i32 to vector<512x512xi32>
    %shift_right_logical3A_18 = arith.shrui %bitcast_convert_type3A, %shift_right_logical3A_17 : vector<512x512xi32>
    %and3A = arith.constant 1 : i32
    %and3A_19 = vector.broadcast %and3A : i32 to vector<512x512xi32>
    %and3A_20 = arith.andi %shift_right_logical3A_18, %and3A_19 : vector<512x512xi32>
    %add3A = arith.constant 32767 : i32
    %add3A_21 = vector.broadcast %add3A : i32 to vector<512x512xi32>
    %add3A_22 = arith.addi %bitcast_convert_type3A, %add3A_21 : vector<512x512xi32>
    %add3A_23 = arith.addi %add3A_22, %and3A_20 : vector<512x512xi32>
    %and3A_24 = arith.constant -65536 : i32
    %and3A_25 = vector.broadcast %and3A_24 : i32 to vector<512x512xi32>
    %and3A_26 = arith.andi %add3A_23, %and3A_25 : vector<512x512xi32>
    %bitcast_convert_type3A_27 = tpu.bitcast %and3A_26 : vector<512x512xi32> -> vector<512x512xf32>
    %mul3A = arith.constant 0.298828125 : f32
    %mul3A_28 = vector.broadcast %mul3A : f32 to vector<512x512xf32>
    %mul3A_29 = arith.mulf %bitcast_convert_type3A_27, %mul3A_28 : vector<512x512xf32>
    %bitcast_convert_type3A_30 = tpu.bitcast %get3A_10 : vector<512x512xf32> -> vector<512x512xi32>
    %shift_right_logical3A_31 = arith.constant 16 : i32
    %shift_right_logical3A_32 = vector.broadcast %shift_right_logical3A_31 : i32 to vector<512x512xi32>
    %shift_right_logical3A_33 = arith.shrui %bitcast_convert_type3A_30, %shift_right_logical3A_32 : vector<512x512xi32>
    %and3A_34 = arith.constant 1 : i32
    %and3A_35 = vector.broadcast %and3A_34 : i32 to vector<512x512xi32>
    %and3A_36 = arith.andi %shift_right_logical3A_33, %and3A_35 : vector<512x512xi32>
    %add3A_37 = arith.constant 32767 : i32
    %add3A_38 = vector.broadcast %add3A_37 : i32 to vector<512x512xi32>
    %add3A_39 = arith.addi %bitcast_convert_type3A_30, %add3A_38 : vector<512x512xi32>
    %add3A_40 = arith.addi %add3A_39, %and3A_36 : vector<512x512xi32>
    %and3A_41 = arith.constant -65536 : i32
    %and3A_42 = vector.broadcast %and3A_41 : i32 to vector<512x512xi32>
    %and3A_43 = arith.andi %add3A_40, %and3A_42 : vector<512x512xi32>
    %bitcast_convert_type3A_44 = tpu.bitcast %and3A_43 : vector<512x512xi32> -> vector<512x512xf32>
    %mul3A_45 = arith.constant 0.5859375 : f32
    %mul3A_46 = vector.broadcast %mul3A_45 : f32 to vector<512x512xf32>
    %mul3A_47 = arith.mulf %bitcast_convert_type3A_44, %mul3A_46 : vector<512x512xf32>
    %add3A_48 = arith.addf %mul3A_29, %mul3A_47 : vector<512x512xf32>
    %bitcast_convert_type3A_49 = tpu.bitcast %get3A_16 : vector<512x512xf32> -> vector<512x512xi32>
    %shift_right_logical3A_50 = arith.constant 16 : i32
    %shift_right_logical3A_51 = vector.broadcast %shift_right_logical3A_50 : i32 to vector<512x512xi32>
    %shift_right_logical3A_52 = arith.shrui %bitcast_convert_type3A_49, %shift_right_logical3A_51 : vector<512x512xi32>
    %and3A_53 = arith.constant 1 : i32
    %and3A_54 = vector.broadcast %and3A_53 : i32 to vector<512x512xi32>
    %and3A_55 = arith.andi %shift_right_logical3A_52, %and3A_54 : vector<512x512xi32>
    %add3A_56 = arith.constant 32767 : i32
    %add3A_57 = vector.broadcast %add3A_56 : i32 to vector<512x512xi32>
    %add3A_58 = arith.addi %bitcast_convert_type3A_49, %add3A_57 : vector<512x512xi32>
    %add3A_59 = arith.addi %add3A_58, %and3A_55 : vector<512x512xi32>
    %and3A_60 = arith.constant -65536 : i32
    %and3A_61 = vector.broadcast %and3A_60 : i32 to vector<512x512xi32>
    %and3A_62 = arith.andi %add3A_59, %and3A_61 : vector<512x512xi32>
    %bitcast_convert_type3A_63 = tpu.bitcast %and3A_62 : vector<512x512xi32> -> vector<512x512xf32>
    %mul3A_64 = arith.constant 0.113769531 : f32
    %mul3A_65 = vector.broadcast %mul3A_64 : f32 to vector<512x512xf32>
    %mul3A_66 = arith.mulf %bitcast_convert_type3A_63, %mul3A_65 : vector<512x512xf32>
    %add3A_67 = arith.addf %add3A_48, %mul3A_66 : vector<512x512xf32>
    %swap3A = arith.constant 0 : index
    %swap3A_68 = arith.constant 0 : index
    %swap3A_69 = arith.constant 0 : index
    %swap3A_70 = vector.load %arg2[%swap3A, %swap3A_68, %swap3A_69] : memref<1x512x512xf32, #tpu.memory_space<vmem>>, vector<1x512x512xf32>
    %swap3A_71 = vector.shape_cast %swap3A_70 : vector<1x512x512xf32> to vector<512x512xf32>
    %swap3A_72 = vector.shape_cast %add3A_67 : vector<512x512xf32> to vector<1x512x512xf32>
    tpu.vector_store %arg2[%swap3A, %swap3A_68, %swap3A_69], %swap3A_72 {strides = array<i32>} : memref<1x512x512xf32, #tpu.memory_space<vmem>>, vector<1x512x512xf32>,
    %reduce_min3A = vector.shape_cast %add3A_67 : vector<512x512xf32> to vector<1x512x512xf32>
    %reduce_min3A_73 = arith.constant dense<0x7F800000> : vector<1xf32>
    %reduce_min3A_74 = vector.multi_reduction <minimumf>, %reduce_min3A, %reduce_min3A_73 [1, 2] : vector<1x512x512xf32> to vector<1xf32>
    %reduce_min3A_75 = vector.shape_cast %reduce_min3A_74 : vector<1xf32> to vector<1x1x1xf32>
    %reduce_min3A_76 = vector.extract %reduce_min3A_75[0, 0, 0] : f32 from vector<1x1x1xf32>
    %broadcast_in_dim3A = vector.broadcast %reduce_min3A_76 : f32 to vector<8x128xf32>
    %swap3A_77 = arith.constant 0 : index
    %swap3A_78 = arith.constant 0 : index
    %swap3A_79 = arith.constant 0 : index
    %swap3A_80 = vector.load %arg3[%swap3A_77, %swap3A_78, %swap3A_79] : memref<1x8x128xf32, #tpu.memory_space<vmem>>, vector<1x8x128xf32>
    %swap3A_81 = vector.shape_cast %swap3A_80 : vector<1x8x128xf32> to vector<8x128xf32>
    %swap3A_82 = vector.shape_cast %broadcast_in_dim3A : vector<8x128xf32> to vector<1x8x128xf32>
    tpu.vector_store %arg3[%swap3A_77, %swap3A_78, %swap3A_79], %swap3A_82 {strides = array<i32>} : memref<1x8x128xf32, #tpu.memory_space<vmem>>, vector<1x8x128xf32>,
    %reduce_max3A = vector.shape_cast %add3A_67 : vector<512x512xf32> to vector<1x512x512xf32>
    %reduce_max3A_83 = arith.constant dense<0xFF800000> : vector<1xf32>
    %reduce_max3A_84 = vector.multi_reduction <maximumf>, %reduce_max3A, %reduce_max3A_83 [1, 2] : vector<1x512x512xf32> to vector<1xf32>
    %reduce_max3A_85 = vector.shape_cast %reduce_max3A_84 : vector<1xf32> to vector<1x1x1xf32>
    %reduce_max3A_86 = vector.extract %reduce_max3A_85[0, 0, 0] : f32 from vector<1x1x1xf32>
    %broadcast_in_dim3A_87 = vector.broadcast %reduce_max3A_86 : f32 to vector<8x128xf32>
    %swap3A_88 = arith.constant 0 : index
    %swap3A_89 = arith.constant 0 : index
    %swap3A_90 = arith.constant 0 : index
    %swap3A_91 = vector.load %arg4[%swap3A_88, %swap3A_89, %swap3A_90] : memref<1x8x128xf32, #tpu.memory_space<vmem>>, vector<1x8x128xf32>
    %swap3A_92 = vector.shape_cast %swap3A_91 : vector<1x8x128xf32> to vector<8x128xf32>
    %swap3A_93 = vector.shape_cast %broadcast_in_dim3A_87 : vector<8x128xf32> to vector<1x8x128xf32>
    tpu.vector_store %arg4[%swap3A_88, %swap3A_89, %swap3A_90], %swap3A_93 {strides = array<i32>} : memref<1x8x128xf32, #tpu.memory_space<vmem>>, vector<1x8x128xf32>,
    return
  }
  func.func @transform_0(%arg0: i32) -> (i32, i32, i32, i32) {
    %c0_i32 = arith.constant 0 : i32
    %c0_i32_0 = arith.constant 0 : i32
    %c0_i32_1 = arith.constant 0 : i32
    %c0_i32_2 = arith.constant 0 : i32
    return %arg0, %c0_i32, %c0_i32_0, %c0_i32_1 : i32, i32, i32, i32
  }
  func.func @transform_1(%arg0: i32) -> (i32, i32, i32) {
    %c0_i32 = arith.constant 0 : i32
    %c0_i32_0 = arith.constant 0 : i32
    %c0_i32_1 = arith.constant 0 : i32
    return %arg0, %c0_i32, %c0_i32_0 : i32, i32, i32
  }
  func.func @transform_2(%arg0: i32) -> (i32, i32, i32) {
    %c0_i32 = arith.constant 0 : i32
    %c0_i32_0 = arith.constant 0 : i32
    %c0_i32_1 = arith.constant 0 : i32
    return %arg0, %c0_i32, %c0_i32_0 : i32, i32, i32
  }
  func.func @transform_3(%arg0: i32) -> (i32, i32, i32) {
    %c0_i32 = arith.constant 0 : i32
    %c0_i32_0 = arith.constant 0 : i32
    %c0_i32_1 = arith.constant 0 : i32
    return %arg0, %c0_i32, %c0_i32_0 : i32, i32, i32
  }
}

module attributes {stable_mosaic.version = 14 : i64} {
  func.func @_binarize_body(%arg0: i32, %arg1: memref<1x512x512xf32, #tpu.memory_space<vmem>>, %arg2: memref<1x8x128xf32, #tpu.memory_space<vmem>>, %arg3: memref<1x3x512x512xf32, #tpu.memory_space<vmem>>) attributes {dimension_semantics = [#tpu.dimension_semantics<arbitrary>], iteration_bounds = array<i64: 32>, scalar_prefetch = 0 : i64, scratch_operands = 0 : i64, tpu.core_type = #tpu.core_type<tc>, window_params = [{transform_indices = @transform_0, window_bounds = array<i64: 1, 512, 512>}, {transform_indices = @transform_1, window_bounds = array<i64: 1, 8, 128>}, {transform_indices = @transform_2, window_bounds = array<i64: 1, 3, 512, 512>}]} {
    %get3A = arith.constant 0 : index
    %get3A_0 = arith.constant 0 : index
    %get3A_1 = arith.constant 0 : index
    %get3A_2 = vector.load %arg2[%get3A, %get3A_0, %get3A_1] : memref<1x8x128xf32, #tpu.memory_space<vmem>>, vector<1x1x1xf32>
    %get3A_3 = vector.extract %get3A_2[0, 0, 0] : f32 from vector<1x1x1xf32>
    %get3A_4 = arith.constant 0 : index
    %get3A_5 = arith.constant 0 : index
    %get3A_6 = arith.constant 0 : index
    %get3A_7 = vector.load %arg1[%get3A_4, %get3A_5, %get3A_6] : memref<1x512x512xf32, #tpu.memory_space<vmem>>, vector<1x512x512xf32>
    %get3A_8 = vector.shape_cast %get3A_7 : vector<1x512x512xf32> to vector<512x512xf32>
    %gt3A = vector.broadcast %get3A_3 : f32 to vector<512x512xf32>
    %gt3A_9 = arith.cmpf ogt, %get3A_8, %gt3A : vector<512x512xf32>
    %jit3A = arith.constant 2.550000e+02 : f32
    %jit3A_10 = arith.constant 0.000000e+00 : f32
    %broadcast_in_dim3A = vector.broadcast %jit3A : f32 to vector<512x512xf32>
    %broadcast_in_dim3A_11 = vector.broadcast %jit3A_10 : f32 to vector<512x512xf32>
    %select_n3A = arith.select %gt3A_9, %broadcast_in_dim3A, %broadcast_in_dim3A_11 : vector<512x512xi1>, vector<512x512xf32>
    %swap3A = arith.constant 0 : index
    %swap3A_12 = arith.constant 0 : index
    %swap3A_13 = arith.constant 0 : index
    %swap3A_14 = arith.constant 0 : index
    %swap3A_15 = vector.load %arg3[%swap3A, %swap3A_12, %swap3A_13, %swap3A_14] : memref<1x3x512x512xf32, #tpu.memory_space<vmem>>, vector<1x1x512x512xf32>
    %swap3A_16 = vector.shape_cast %swap3A_15 : vector<1x1x512x512xf32> to vector<512x512xf32>
    %swap3A_17 = vector.shape_cast %select_n3A : vector<512x512xf32> to vector<1x1x512x512xf32>
    tpu.vector_store %arg3[%swap3A, %swap3A_12, %swap3A_13, %swap3A_14], %swap3A_17 {strides = array<i32>} : memref<1x3x512x512xf32, #tpu.memory_space<vmem>>, vector<1x1x512x512xf32>,
    %swap3A_18 = arith.constant 0 : index
    %swap3A_19 = arith.constant 1 : index
    %swap3A_20 = arith.constant 0 : index
    %swap3A_21 = arith.constant 0 : index
    %swap3A_22 = vector.load %arg3[%swap3A_18, %swap3A_19, %swap3A_20, %swap3A_21] : memref<1x3x512x512xf32, #tpu.memory_space<vmem>>, vector<1x1x512x512xf32>
    %swap3A_23 = vector.shape_cast %swap3A_22 : vector<1x1x512x512xf32> to vector<512x512xf32>
    %swap3A_24 = vector.shape_cast %select_n3A : vector<512x512xf32> to vector<1x1x512x512xf32>
    tpu.vector_store %arg3[%swap3A_18, %swap3A_19, %swap3A_20, %swap3A_21], %swap3A_24 {strides = array<i32>} : memref<1x3x512x512xf32, #tpu.memory_space<vmem>>, vector<1x1x512x512xf32>,
    %swap3A_25 = arith.constant 0 : index
    %swap3A_26 = arith.constant 2 : index
    %swap3A_27 = arith.constant 0 : index
    %swap3A_28 = arith.constant 0 : index
    %swap3A_29 = vector.load %arg3[%swap3A_25, %swap3A_26, %swap3A_27, %swap3A_28] : memref<1x3x512x512xf32, #tpu.memory_space<vmem>>, vector<1x1x512x512xf32>
    %swap3A_30 = vector.shape_cast %swap3A_29 : vector<1x1x512x512xf32> to vector<512x512xf32>
    %swap3A_31 = vector.shape_cast %select_n3A : vector<512x512xf32> to vector<1x1x512x512xf32>
    tpu.vector_store %arg3[%swap3A_25, %swap3A_26, %swap3A_27, %swap3A_28], %swap3A_31 {strides = array<i32>} : memref<1x3x512x512xf32, #tpu.memory_space<vmem>>, vector<1x1x512x512xf32>,
    return
  }
  func.func @transform_0(%arg0: i32) -> (i32, i32, i32) {
    %c0_i32 = arith.constant 0 : i32
    %c0_i32_0 = arith.constant 0 : i32
    %c0_i32_1 = arith.constant 0 : i32
    return %arg0, %c0_i32, %c0_i32_0 : i32, i32, i32
  }
  func.func @transform_1(%arg0: i32) -> (i32, i32, i32) {
    %c0_i32 = arith.constant 0 : i32
    %c0_i32_0 = arith.constant 0 : i32
    %c0_i32_1 = arith.constant 0 : i32
    return %arg0, %c0_i32, %c0_i32_0 : i32, i32, i32
  }
  func.func @transform_2(%arg0: i32) -> (i32, i32, i32, i32) {
    %c0_i32 = arith.constant 0 : i32
    %c0_i32_0 = arith.constant 0 : i32
    %c0_i32_1 = arith.constant 0 : i32
    %c0_i32_2 = arith.constant 0 : i32
    return %arg0, %c0_i32, %c0_i32_0, %c0_i32_1 : i32, i32, i32, i32
  }
}

</mosaic_0001>

<sc_bundles>
// kernel: kernel.6.cloned.1.call-start
scs
__scs_entry_jumppad:
0x0: {  	(pc) =	sbr.rel $0x88, $3  }
0x1: {  	(tag) =	ssettag $0x0;
	lr =	simm.s32 $0x1  }
0x2: {  	[smem:$0x3FA0] =	sst lr;
	_ =	strace $0xD0000000  }
0x3: {  	_ = 	snop  }
0x4: {  	_ = 	snop  }
0x5: {  	_ = 	snop  }
0x6: {  	_ = 	snop  }
0x7: {  	_ = 	snop  }
__scs_overlays_trampoline_lowered:
0x8: {  	[smem:$0x3FAF] =	sst s0  }
0x9: {  	[smem:$0x3FB0] =	sst s1  }
0xa: {  	[smem:$0x3FB1] =	sst s2  }
0xb: {  	[smem:$0x3FB2] =	sst s3  }
0xc: {  	[smem:$0x3FB3] =	sst s4  }
0xd: {  	[smem:$0x3FB4] =	sst s5  }
0xe: {  	[smem:$0x3FB5] =	sst s6  }
0xf: {  	[smem:$0x3FB6] =	sst s7  }
0x10: {  	[smem:$0x3FB7] =	sst s8  }
0x11: {  	[smem:$0x3FB8] =	sst s9;
	s0 =	simm.s32 @!p0 $0x0  }
0x12: {  	s1 =	sld [smem:$0x3F9E];
	s0 =	simm.s32 @p0 $0x1  }
0x13: {  	[smem:$0x3FB9] =	sst s0;
	s0 =	simm.s32 @!p1 $0x0  }
0x14: {  	s2 =	sld [smem:$0x3F9D];
	s0 =	simm.s32 @p1 $0x1  }
0x15: {  	[smem:$0x3FBA] =	sst s0;
	s0 =	simm.s32 @!p2 $0x0  }
0x16: {  	s3 =	sld [smem:$0x3FDB];
	s0 =	simm.s32 @p2 $0x1  }
0x17: {  	s4 =	simm.s32 $0x1BF5;
	[smem:$0x3FBC] =	sst s0  }
0x18: {  	s0 =	sld [smem:$0x3F9F];
	_ =	swait.ge [sflag:s4], $0x0  }
0x19: {  	s7 =	sld [smem:$0x3FA0]  }
0x1a: {  	s8 =	sadd.s32 $0xFFFFE003, lr  }
0x1b: {  	s9 =	sadd.s32 $0xFFFFFEF7, lr;
	s5 =	simm.s32 $0xFFFFFFFF;
	p2 =	slt.u32 s8, $0xFFFFF086  }
0x1c: {  	p1 =	slt.u32 s9, $0xF7A;
	s5 =	simm.s32 @!p2 $0x0  }
0x1d: {  	s5 =	simm.s32 @p1 $0x1;
	p0 =	seq.s32 s7, s2  }
0x1e: {  	s7 =	smul.u32 @!p0 $0xF7A, s2;
	p2 =	seq.s32 @!p0 s5, $0x0  }
0x1f: {  	s9 =	smul.u32 $0xF7A, s1;
	s8 =	simm.s32 @!p0 $0x1BF5;
	p2 =	por !p2, p0  }
0x20: {  	[sflag:s8] =	ssyncset.s32 @!p0 $0xFFFFF086;
	s6 =	sadd.s32 @!p0 s3, s7;
	s7 =	simm.s32 @!p0 $0x108  }
0x21: {  	s3 =	sadd.s32 s3, s9;
	s6 =	sadd.s32 @!p0 $0x88, s6;
	s7 =	simm.s32 @p2 $0x1082  }
0x22: {  	[simem:s7], [sflag:s8] =	dma.local @!p0 [hbm:s6], $0xF7A  }
0x23: {  	s9 =	sor.u32 $0xD0000000, s2;
	s6 =	simm.s32 $0x108;
	_ =	swait.ge @!p0 [sflag:s8], $0x0  }
0x24: {  	s3 =	sadd.s32 $0x88, s3;
	s6 =	simm.s32 @!p1 $0x1082;
	[sflag:s4] =	ssyncset.s32 $0xFFFFF086  }
0x25: {  	[simem:s6], [sflag:s4] =	dma.local [hbm:s3], $0xF7A  }
0x26: {  	[smem:$0x3FA0] =	sst s1;
	(tag) =	ssettag s2;
	_ =	strace s9  }
0x27: {  	s1 =	sld [smem:$0x3FB0]  }
0x28: {  	s2 =	sld [smem:$0x3FB1]  }
0x29: {  	s4 =	sld [smem:$0x3FB3]  }
0x2a: {  	p0 =	seq.s32 s5, $0x0;
	s5 =	sld [smem:$0x3FB4]  }
0x2b: {  	s6 =	sld [smem:$0x3FB5]  }
0x2c: {  	s7 =	sld [smem:$0x3FB6]  }
0x2d: {  	s3 =	simm.s32 $0x108;
	s8 =	sld [smem:$0x3FB7]  }
0x2e: {  	s3 =	simm.s32 @!p0 $0x1082;
	s9 =	sld [smem:$0x3FB8]  }
0x2f: {  	lr =	sadd.s32 s0, s3;
	s0 =	sld [smem:$0x3FAF]  }
0x30: {  	s3 =	sld [smem:$0x3FB2]  }
0x31: {  	[smem:$0x3FBB] =	sst s10  }
0x32: {  	s10 =	sld [smem:$0x3FB9];
	_ =	sdelay $0x3  }
0x33: {  	p0 =	seq.s32 s10, $0x1;
	s10 =	sld [smem:$0x3FBB];
	_ =	sdelay $0x3  }
0x34: {  	[smem:$0x3FBB] =	sst s10  }
0x35: {  	s10 =	sld [smem:$0x3FBA];
	_ =	sdelay $0x3  }
0x36: {  	p1 =	seq.s32 s10, $0x1;
	s10 =	sld [smem:$0x3FBB];
	_ =	sdelay $0x3  }
0x37: {  	[smem:$0x3FBB] =	sst s10  }
0x38: {  	s10 =	sld [smem:$0x3FBC]  }
0x39: {  	_ = 	snop;
	(pc) =	sbr.ind lr, $3  }
0x3a: {  	_ = 	snop  }
0x3b: {  	_ = 	snop  }
0x3c: {  	p2 =	seq.s32 s10, $0x1;
	s10 =	sld [smem:$0x3FBB]  }
0x3d: {  	_ =	shalt  }
0x3e: {  	_ =	shalt  }
0x3f: {  	_ =	shalt  }
0x40: {  	_ =	shalt  }
0x41: {  	_ =	shalt  }
0x42: {  	_ =	shalt  }
0x43: {  	_ =	shalt  }
0x44: {  	_ =	shalt  }
0x45: {  	_ =	shalt  }
0x46: {  	_ =	shalt  }
0x47: {  	_ =	shalt  }
0x48: {  	_ =	shalt  }
0x49: {  	_ =	shalt  }
0x4a: {  	_ =	shalt  }
0x4b: {  	_ =	shalt  }
0x4c: {  	_ =	shalt  }
0x4d: {  	_ =	shalt  }
0x4e: {  	_ =	shalt  }
0x4f: {  	_ =	shalt  }
0x50: {  	_ =	shalt  }
0x51: {  	_ =	shalt  }
0x52: {  	_ =	shalt  }
0x53: {  	_ =	shalt  }
0x54: {  	_ =	shalt  }
0x55: {  	_ =	shalt  }
0x56: {  	_ =	shalt  }
0x57: {  	_ =	shalt  }
0x58: {  	_ =	shalt  }
0x59: {  	_ =	shalt  }
0x5a: {  	_ =	shalt  }
0x5b: {  	_ =	shalt  }
0x5c: {  	_ =	shalt  }
0x5d: {  	_ =	shalt  }
0x5e: {  	_ =	shalt  }
0x5f: {  	_ =	shalt  }
0x60: {  	_ =	shalt  }
0x61: {  	_ =	shalt  }
0x62: {  	_ =	shalt  }
0x63: {  	_ =	shalt  }
0x64: {  	_ =	shalt  }
0x65: {  	_ =	shalt  }
0x66: {  	_ =	shalt  }
0x67: {  	_ =	shalt  }
0x68: {  	_ =	shalt  }
0x69: {  	_ =	shalt  }
0x6a: {  	_ =	shalt  }
0x6b: {  	_ =	shalt  }
0x6c: {  	_ =	shalt  }
0x6d: {  	_ =	shalt  }
0x6e: {  	_ =	shalt  }
0x6f: {  	_ =	shalt  }
0x70: {  	_ =	shalt  }
0x71: {  	_ =	shalt  }
0x72: {  	_ =	shalt  }
0x73: {  	_ =	shalt  }
0x74: {  	_ =	shalt  }
0x75: {  	_ =	shalt  }
0x76: {  	_ =	shalt  }
0x77: {  	_ =	shalt  }
0x78: {  	_ =	shalt  }
0x79: {  	_ =	shalt  }
0x7a: {  	_ =	shalt  }
0x7b: {  	_ =	shalt  }
0x7c: {  	_ =	shalt  }
0x7d: {  	_ =	shalt  }
0x7e: {  	_ =	shalt  }
0x7f: {  	_ =	shalt  }
0x80: {  	_ =	shalt  }
0x81: {  	_ =	shalt  }
0x82: {  	_ =	shalt  }
0x83: {  	_ =	shalt  }
0x84: {  	_ =	shalt  }
0x85: {  	_ =	shalt  }
0x86: {  	_ =	shalt  }
0x87: {  	_ =	shalt  }
.Lfunc_end0:
.L_simem_size_0:
called_computation_lowered:
.L_overlay_start_0:
0x88: {  	s2 =	sld [smem:$0x3FD9]  }
0x89: {  	s3 =	sld [smem:$0x3FFE];
	_ =	sdelay $0x1  }
0x8a: {  	s1 =	srdreg.scid  }
0x8b: {  	s0 =	sand.u32 $0x1, s1  }
0x8c: {  	s17 =	sshll.u32 s0, $0xA;
	s2 =	sadd.s32 s3, s2  }
0x8d: {  	s2 =	sadd.s32 s2, s17  }
0x8e: {  	[smem:$0x3FC7] =	sst s2  }
0x8f: {  	_ = 	snop  }
0x90: {  	s2 =	sld [smem:$0x3FD0];
	(tm) =	ssettm $0x1  }
0x91: {  	s18 =	sld [smem:$0x3FFB];
	_ =	sdelay $0x3  }
0x92: {  	_ =	strace s18  }
0x93: {  	s3 =	sld [smem:$0x3FFC];
	_ =	sdelay $0x3  }
0x94: {  	_ =	strace s3  }
0x95: {  	s3 =	sld [smem:$0x3FFD];
	_ =	sdelay $0x3  }
0x96: {  	_ =	strace s3  }
0x97: {  	_ =	strace $0x8FFFFFFF  }
0x98: {  	s19 =	sld [smem:$0x3FDB];
	_ =	sdelay $0x1  }
0x99: {  	s4 =	simm.s32 $_scs_section_size  }
0x9a: {  	s5 =	simm.s32 $_size__tile_overlayer_lowered;
	s6 =	simm.s32 $_tile_overlayer_lowered  }
0x9b: {  	s22 =	simm.s32 $0x1BFF;
	s21 =	sshll.u32 s6, $0x1;
	s3 =	sadd.s32 s4, s19  }
0x9c: {  	s7 =	simm.s32 $0x0;
	s20 =	sshll.u32 s5, $0x1;
	s5 =	sadd.s32 s21, s3  }
0x9d: {  	[timem:s7], [sflag:s22] =	dma.local [hbm:s5], s20  }
0x9e: {  	_ =	swait.ge [sflag:s22], s20  }
0x9f: {  	s4 =	ssub.s32 $0x0, s20;
	[sflag:s22] =	ssyncset.done $0x0  }
0xa0: {  	[sflag:s22] =	ssyncadd.s32 s4;
	_ =	sdelay $0x1  }
0xa1: {  	s23 =	simm.s32 $0x1B8B  }
0xa2: {  	_ =	swait.ge [sflag:s23], $0x1  }
0xa3: {  	[sflag:s23] =	ssyncset.done $0x0  }
0xa4: {  	s25 =	simm.s32 $0x1B8E;
	s24 =	sld [smem:$0x3FFE];
	[sflag:s23] =	ssyncadd.s32 $0xFFFFFFFF  }
0xa5: {  	s26 =	simm.s32 $execute0_lowered;
	[smem:$0x3FD2] =	sst s25  }
0xa6: {  	s5 =	sshll.u32 s26, $0x1;
	_ =	strace $0x80000046;
	[dreg:$0x1] =	wrdreg $0xFFFFFFFF  }
0xa7: {  	s28 =	simm.s32 $_size_execute0_lowered;
	s3 =	sadd.s32 s3, s5;
	[dreg:$0x0] =	wrdreg $0x0  }
0xa8: {  	s5 =	sshll.u32 s28, $0x1;
	[dreg:$0x2] =	wrdreg s3  }
0xa9: {  	[dreg:$0x3] =	wrdreg s5  }
0xaa: {  	[dreg:$0x4] =	wrdreg $0xC0  }
0xab: {  	_ =	task [dreg:s7], $0x5FFFF  }
0xac: {  	[dreg:$0x1] =	wrdreg $0xFFFFFFFF  }
0xad: {  	[dreg:$0x0] =	wrdreg $0x60  }
0xae: {  	[dreg:$0x2] =	wrdreg s24  }
0xaf: {  	[dreg:$0x3] =	wrdreg s2  }
0xb0: {  	[dreg:$0x4] =	wrdreg $0x9  }
0xb1: {  	_ =	task.clear_ibuf [dreg:s7], $0x5FFFF;
	_ =	strace $0x90000046  }
0xb2: {  	s29 =	simm.s32 $0x9;
	_ =	strace $0x80000048  }
0xb3: {  	_ =	swait.ge [sflag:s29], $0x1  }
0xb4: {  	[sflag:s29] =	ssyncadd.s32 $0xFFFFFFFF  }
0xb5: {  	_ =	strace $0x90000048  }
0xb6: {  	_ =	sfence  }
0xb7: {  	s30 =	sld [smem:$0x0];
	_ =	sdelay $0x2  }
0xb8: {  	s31 =	sshll.u32 s1, $0xD;
	s1 =	sshrl.u32 s1, $0x2  }
0xb9: {  	s3 =	sand.u32 $0x4000, s31;
	s1 =	sadd.s32 s1, s30  }
0xba: {  	s0 =	sor.u32 s3, s0;
	s1 =	sshll.u32 s1, $0x11  }
0xbb: {  	s0 =	sor.u32 s1, s0  }
0xbc: {  	s0 =	sadd.s32 $0x8F2B, s0  }
0xbd: {  	[sflag:s0] =	ssyncadd.remote.s32 $0x1  }
0xbe: {  	_ =	sfence.sel $0xFFFF  }
0xbf: {  	[dreg:$0x0] =	wrdreg $0xFFFFFFFF;
	(pc) =	sbr.abs _section_cstart, $3  }
0xc0: {  	[dreg:$0x1] =	wrdreg $0xFFFFFFFF  }
0xc1: {  	_ =	task.clear_ibuf [dreg:s7], $0x2FFFF;
	_ =	strace $0x9FFFFFFF  }
0xc2: {  	(tm) =	ssettm $0x7FFFFFFF  }
0xc3: {  	_ =	shalt  }
tec
execute0_lowered:
.L_overlay_start_1:
0x0: {  	(tag) =	ssettag $0x1  }
0x1: {  	s2 =	rddreg [dreg:$0x0]  }
0x2: {  	s1 =	srdreg.scid;
	s0 =	stileid.u32  }
0x3: {  	s10 =	rddreg [dreg:$0x1];
	s3 =	simm.s32 $0x0;
	s14 =	simm.s32 $0x14600  }
0x4: {  	s15 =	simm.s32 $0x8000;
	s16 =	simm.s32 $0x1;
	s17 =	simm.s32 $0x10000  }
0x5: {  	s18 =	simm.s32 $0x2;
	s19 =	simm.s32 $0x14480;
	s20 =	simm.s32 $0x0  }
0x6: {  	s4 =	sand.u32 $0x1, s1;
	s5 =	sshll.u32 s0, $0x1;
	s1 =	rddreg [dreg:$0x2]  }
0x7: {  	[smem:$0x7FF] =	sst s3;
	s9 =	sor.u32 s4, s5;
	s4 =	ssub.s32 $0x2, s4  }
0x8: {  	_ =	strace $0x80000047;
	s5 =	sshll.u32 s9, $0x1;
	s6 =	sshrl.u32 s4, $0x1  }
0x9: {  	s12 =	sshll.u32 s9, $0x12;
	s31 =	sshll.u32 s9, $0xF;
	s13 =	sshll.u32 s9, $0x5  }
0xa: {  	v0 =	vlaneseq.u32;
	s5 =	sadd.s32 s5, s2;
	s11 =	ssub.s32 s4, s6;
	s6 =	sadd.s32 s2, s31  }
0xb: {  	v0 =	vmul.u32 $0x111, v0;
	s8 =	sor.u32 $0x10000, s12;
	s9 =	sor.u32 $0x18000, s12;
	s10 =	sadd.s32 s10, s13  }
0xc: {  	v1 =	vimm.f32 $0.0e+00;
	v2 =	vimm.f32 $1.000000000e+00;
	s12 =	simm.s32 $0x14580;
	s13 =	simm.s32 $0x3;
	s4 =	sadd.s32 $0x100200, s5  }
0xd: {  	v3 =	vadd.s32 $0x1110, v0;
	v4 =	vadd.s32 $0x2220, v0;
	v5 =	vadd.s32 $0x3330, v0;
	s5 =	sadd.s32 $0x100000, s5;
	s7 =	sadd.s32 $0x1000, s6;
	s11 =	smax.u32 s11, $0x1  }
.LBB2_1:
0xe: {  	[tilespmem:s12], [sflag:$0x3] =	stream.linear.gather [hbm4b:s4+s3], $0x10, $0x38;
	[tilespmem:$0x14680] =	vst v63  }
0xf: {  	_ =	swait.ge [sflag:s13], $0x10  }
0x10: {  	[sflag:s13] =	ssyncset.done $0x0  }
0x11: {  	[sflag:s13] =	ssyncadd.s32 $0xFFFFFFF0  }
0x12: {  	[tilespmem:s14], [sflag:$0x3] =	stream.linear.gather [hbm4b:s5+s3], $0x10, $0x38;
	[tilespmem:$0x14680] =	vst v63  }
0x13: {  	_ =	swait.ge [sflag:s13], $0x10  }
0x14: {  	[sflag:s13] =	ssyncset.done $0x0  }
0x15: {  	[sflag:s13] =	ssyncadd.s32 $0xFFFFFFF0  }
0x16: {  	v6 =	vld [tilespmem:$0x14580]  }
0x17: {  	s21 =	simm.s32 $0x40;
	s22 =	simm.s32 $0x0;
	v7 =	vld [tilespmem:$0x14600]  }
.LBB2_2:
0x18: {  	p0 =	sne.s32 s21, $0x11100;
	[tilespmem:s22+$0x10000] =	vst v1;
	s22 =	smov.u32 s21;
	s21 =	sadd.s32 $0x40, s21  }
.Ltmp0:
0x19: {  	(pc) =	sbr.rel @p0 .LBB2_2-.Ltmp0, $2  }
0x1a: {  	_ =	sdelay $0x2  }
0x1b: {  	s22 =	sshra.s32 s22, $0x2  }
0x1c: {  	[tilespmem:s22+$0x10000] =	vst v1;
	s21 =	simm.s32 $0x0  }
0x1d: {  	[tilespmem:s21], [sflag:$0x1] =	stream.linear.gather [hbm4b:s6+s21], $0x8000, $0x38;
	[tilespmem:$0x14680] =	vst v63  }
0x1e: {  	_ = 	snop  }
0x1f: {  	[tilespmem:s15], [sflag:$0x2] =	stream.linear.gather [hbm4b:s7+s21], $0x8000, $0x38;
	[tilespmem:$0x14680] =	vst v63  }
.LBB2_4:
0x20: {  	_ =	swait.ge [sflag:s16], $0x8000  }
0x21: {  	[sflag:s16] =	ssyncset.done $0x0  }
0x22: {  	s22 =	simm.s32 $0x0;
	[sflag:s16] =	ssyncadd.s32 $0xFFFF8000  }
.LBB2_5:
0x23: {  	s23 =	sshra.s32 s22, $0x2  }
0x24: {  	v8 =	vld [tilespmem:s23+$0x0];
	_ =	sdelay $0x4  }
0x25: {  	v8 =	vsub.f32 v8, v6;
	_ =	sdelay $0x1  }
0x26: {  	v8 =	vmul.f32 v8, v7;
	_ =	sdelay $0x1  }
0x27: {  	v8 =	vtrunc.f32 v8  }
0x28: {  	v8 =	vcvt.f32.s32 v8;
	_ =	sdelay $0x1  }
0x29: {  	vm0 =	vlt.s32 v8, $0xFF  }
0x2a: {  	v8 =	vnsel vm0, $0xFF, v8  }
0x2b: {  	v8 =	vadd.s32 v0, v8;
	_ =	sdelay $0x4  }
0x2c: {  	[tilespmem:v8+s17+$0x0] =	vst.idx.add.f32.msk $0xffff, v2  }
0x2d: {  	v8 =	vld [tilespmem:s23+$0x10];
	_ =	sdelay $0x4  }
0x2e: {  	v8 =	vsub.f32 v8, v6;
	_ =	sdelay $0x1  }
0x2f: {  	v8 =	vmul.f32 v8, v7;
	_ =	sdelay $0x1  }
0x30: {  	v8 =	vtrunc.f32 v8  }
0x31: {  	v8 =	vcvt.f32.s32 v8;
	_ =	sdelay $0x1  }
0x32: {  	vm9 =	vlt.s32 v8, $0xFF  }
0x33: {  	v8 =	vnsel vm9, $0xFF, v8  }
0x34: {  	v8 =	vadd.s32 v3, v8;
	_ =	sdelay $0x4  }
0x35: {  	[tilespmem:v8+s17+$0x0] =	vst.idx.add.f32.msk $0xffff, v2  }
0x36: {  	v8 =	vld [tilespmem:s23+$0x20];
	_ =	sdelay $0x4  }
0x37: {  	v8 =	vsub.f32 v8, v6;
	_ =	sdelay $0x1  }
0x38: {  	v8 =	vmul.f32 v8, v7;
	_ =	sdelay $0x1  }
0x39: {  	v8 =	vtrunc.f32 v8  }
0x3a: {  	v8 =	vcvt.f32.s32 v8;
	_ =	sdelay $0x1  }
0x3b: {  	vm10 =	vlt.s32 v8, $0xFF  }
0x3c: {  	v8 =	vnsel vm10, $0xFF, v8  }
0x3d: {  	v8 =	vadd.s32 v4, v8;
	_ =	sdelay $0x4  }
0x3e: {  	[tilespmem:v8+s17+$0x0] =	vst.idx.add.f32.msk $0xffff, v2  }
0x3f: {  	v8 =	vld [tilespmem:s23+$0x30];
	_ =	sdelay $0x4  }
0x40: {  	v8 =	vsub.f32 v8, v6;
	_ =	sdelay $0x1  }
0x41: {  	v8 =	vmul.f32 v8, v7;
	_ =	sdelay $0x1  }
0x42: {  	v8 =	vtrunc.f32 v8  }
0x43: {  	v8 =	vcvt.f32.s32 v8;
	_ =	sdelay $0x1  }
0x44: {  	vm11 =	vlt.s32 v8, $0xFF  }
0x45: {  	v8 =	vnsel vm11, $0xFF, v8  }
0x46: {  	v8 =	vadd.s32 v5, v8;
	_ =	sdelay $0x4  }
0x47: {  	[tilespmem:v8+s17+$0x0] =	vst.idx.add.f32.msk $0xffff, v2  }
0x48: {  	v8 =	vld [tilespmem:s23+$0x40];
	_ =	sdelay $0x4  }
0x49: {  	v8 =	vsub.f32 v8, v6;
	_ =	sdelay $0x1  }
0x4a: {  	v8 =	vmul.f32 v8, v7;
	_ =	sdelay $0x1  }
0x4b: {  	v8 =	vtrunc.f32 v8  }
0x4c: {  	v8 =	vcvt.f32.s32 v8;
	_ =	sdelay $0x1  }
0x4d: {  	vm12 =	vlt.s32 v8, $0xFF  }
0x4e: {  	v8 =	vnsel vm12, $0xFF, v8  }
0x4f: {  	v8 =	vadd.s32 v0, v8;
	_ =	sdelay $0x4  }
0x50: {  	[tilespmem:v8+s17+$0x0] =	vst.idx.add.f32.msk $0xffff, v2  }
0x51: {  	v8 =	vld [tilespmem:s23+$0x50];
	_ =	sdelay $0x4  }
0x52: {  	v8 =	vsub.f32 v8, v6;
	_ =	sdelay $0x1  }
0x53: {  	v8 =	vmul.f32 v8, v7;
	_ =	sdelay $0x1  }
0x54: {  	v8 =	vtrunc.f32 v8  }
0x55: {  	v8 =	vcvt.f32.s32 v8;
	_ =	sdelay $0x1  }
0x56: {  	vm13 =	vlt.s32 v8, $0xFF  }
0x57: {  	v8 =	vnsel vm13, $0xFF, v8  }
0x58: {  	v8 =	vadd.s32 v3, v8;
	_ =	sdelay $0x4  }
0x59: {  	[tilespmem:v8+s17+$0x0] =	vst.idx.add.f32.msk $0xffff, v2  }
0x5a: {  	v8 =	vld [tilespmem:s23+$0x60];
	_ =	sdelay $0x4  }
0x5b: {  	v8 =	vsub.f32 v8, v6;
	_ =	sdelay $0x1  }
0x5c: {  	v8 =	vmul.f32 v8, v7;
	_ =	sdelay $0x1  }
0x5d: {  	v8 =	vtrunc.f32 v8  }
0x5e: {  	v8 =	vcvt.f32.s32 v8;
	_ =	sdelay $0x1  }
0x5f: {  	vm14 =	vlt.s32 v8, $0xFF  }
0x60: {  	v8 =	vnsel vm14, $0xFF, v8  }
0x61: {  	v8 =	vadd.s32 v4, v8;
	_ =	sdelay $0x4  }
0x62: {  	[tilespmem:v8+s17+$0x0] =	vst.idx.add.f32.msk $0xffff, v2  }
0x63: {  	v8 =	vld [tilespmem:s23+$0x70];
	_ =	sdelay $0x4  }
0x64: {  	v8 =	vsub.f32 v8, v6;
	_ =	sdelay $0x1  }
0x65: {  	v8 =	vmul.f32 v8, v7;
	_ =	sdelay $0x1  }
0x66: {  	v8 =	vtrunc.f32 v8  }
0x67: {  	v8 =	vcvt.f32.s32 v8;
	_ =	sdelay $0x1  }
0x68: {  	vm15 =	vlt.s32 v8, $0xFF  }
0x69: {  	v8 =	vnsel vm15, $0xFF, v8  }
0x6a: {  	p0 =	sne.s32 s22, $0x1FE00;
	v8 =	vadd.s32 v5, v8  }
.Ltmp1:
0x6b: {  	_ = 	snop;
	(pc) =	sbr.rel @p0 .LBB2_5-.Ltmp1, $2  }
0x6c: {  	_ =	sdelay $0x2  }
0x6d: {  	s22 =	sadd.s32 $0x200, s22;
	[tilespmem:v8+s17+$0x0] =	vst.idx.add.f32.msk $0xffff, v2  }
0x6e: {  	s22 =	sshll.u32 s21, $0x10;
	p0 =	seq.s32 s21, $0x3  }
0x6f: {  	s23 =	sadd.s32 @!p0 s22, s8  }
0x70: {  	s23 =	sshrl.u32 @!p0 s23, $0x3  }
0x71: {  	s24 =	simm.s32 @!p0 $0x0;
	s23 =	sadd.s32 @!p0 s2, s23  }
0x72: {  	[tilespmem:s24], [sflag:$0x1] =	stream.linear.gather @!p0 [hbm4b:s23+s24], $0x8000, $0x38;
	[tilespmem:$0x14680] =	vst v63  }
0x73: {  	_ =	swait.ge [sflag:s18], $0x8000  }
0x74: {  	[sflag:s18] =	ssyncset.done $0x0  }
0x75: {  	s23 =	simm.s32 $0x0;
	[sflag:s18] =	ssyncadd.s32 $0xFFFF8000  }
.LBB2_7:
0x76: {  	s24 =	sshra.s32 s23, $0x2  }
0x77: {  	v8 =	vld [tilespmem:s24+$0x8000];
	_ =	sdelay $0x4  }
0x78: {  	v8 =	vsub.f32 v8, v6;
	_ =	sdelay $0x1  }
0x79: {  	v8 =	vmul.f32 v8, v7;
	_ =	sdelay $0x1  }
0x7a: {  	v8 =	vtrunc.f32 v8  }
0x7b: {  	v8 =	vcvt.f32.s32 v8;
	_ =	sdelay $0x1  }
0x7c: {  	vm0 =	vlt.s32 v8, $0xFF  }
0x7d: {  	v8 =	vnsel vm0, $0xFF, v8  }
0x7e: {  	v8 =	vadd.s32 v0, v8;
	_ =	sdelay $0x4  }
0x7f: {  	[tilespmem:v8+s17+$0x0] =	vst.idx.add.f32.msk $0xffff, v2  }
0x80: {  	v8 =	vld [tilespmem:s24+$0x8010];
	_ =	sdelay $0x4  }
0x81: {  	v8 =	vsub.f32 v8, v6;
	_ =	sdelay $0x1  }
0x82: {  	v8 =	vmul.f32 v8, v7;
	_ =	sdelay $0x1  }
0x83: {  	v8 =	vtrunc.f32 v8  }
0x84: {  	v8 =	vcvt.f32.s32 v8;
	_ =	sdelay $0x1  }
0x85: {  	vm9 =	vlt.s32 v8, $0xFF  }
0x86: {  	v8 =	vnsel vm9, $0xFF, v8  }
0x87: {  	v8 =	vadd.s32 v3, v8;
	_ =	sdelay $0x4  }
0x88: {  	[tilespmem:v8+s17+$0x0] =	vst.idx.add.f32.msk $0xffff, v2  }
0x89: {  	v8 =	vld [tilespmem:s24+$0x8020];
	_ =	sdelay $0x4  }
0x8a: {  	v8 =	vsub.f32 v8, v6;
	_ =	sdelay $0x1  }
0x8b: {  	v8 =	vmul.f32 v8, v7;
	_ =	sdelay $0x1  }
0x8c: {  	v8 =	vtrunc.f32 v8  }
0x8d: {  	v8 =	vcvt.f32.s32 v8;
	_ =	sdelay $0x1  }
0x8e: {  	vm10 =	vlt.s32 v8, $0xFF  }
0x8f: {  	v8 =	vnsel vm10, $0xFF, v8  }
0x90: {  	v8 =	vadd.s32 v4, v8;
	_ =	sdelay $0x4  }
0x91: {  	[tilespmem:v8+s17+$0x0] =	vst.idx.add.f32.msk $0xffff, v2  }
0x92: {  	v8 =	vld [tilespmem:s24+$0x8030];
	_ =	sdelay $0x4  }
0x93: {  	v8 =	vsub.f32 v8, v6;
	_ =	sdelay $0x1  }
0x94: {  	v8 =	vmul.f32 v8, v7;
	_ =	sdelay $0x1  }
0x95: {  	v8 =	vtrunc.f32 v8  }
0x96: {  	v8 =	vcvt.f32.s32 v8;
	_ =	sdelay $0x1  }
0x97: {  	vm11 =	vlt.s32 v8, $0xFF  }
0x98: {  	v8 =	vnsel vm11, $0xFF, v8  }
0x99: {  	v8 =	vadd.s32 v5, v8;
	_ =	sdelay $0x4  }
0x9a: {  	[tilespmem:v8+s17+$0x0] =	vst.idx.add.f32.msk $0xffff, v2  }
0x9b: {  	v8 =	vld [tilespmem:s24+$0x8040];
	_ =	sdelay $0x4  }
0x9c: {  	v8 =	vsub.f32 v8, v6;
	_ =	sdelay $0x1  }
0x9d: {  	v8 =	vmul.f32 v8, v7;
	_ =	sdelay $0x1  }
0x9e: {  	v8 =	vtrunc.f32 v8  }
0x9f: {  	v8 =	vcvt.f32.s32 v8;
	_ =	sdelay $0x1  }
0xa0: {  	vm12 =	vlt.s32 v8, $0xFF  }
0xa1: {  	v8 =	vnsel vm12, $0xFF, v8  }
0xa2: {  	v8 =	vadd.s32 v0, v8;
	_ =	sdelay $0x4  }
0xa3: {  	[tilespmem:v8+s17+$0x0] =	vst.idx.add.f32.msk $0xffff, v2  }
0xa4: {  	v8 =	vld [tilespmem:s24+$0x8050];
	_ =	sdelay $0x4  }
0xa5: {  	v8 =	vsub.f32 v8, v6;
	_ =	sdelay $0x1  }
0xa6: {  	v8 =	vmul.f32 v8, v7;
	_ =	sdelay $0x1  }
0xa7: {  	v8 =	vtrunc.f32 v8  }
0xa8: {  	v8 =	vcvt.f32.s32 v8;
	_ =	sdelay $0x1  }
0xa9: {  	vm13 =	vlt.s32 v8, $0xFF  }
0xaa: {  	v8 =	vnsel vm13, $0xFF, v8  }
0xab: {  	v8 =	vadd.s32 v3, v8;
	_ =	sdelay $0x4  }
0xac: {  	[tilespmem:v8+s17+$0x0] =	vst.idx.add.f32.msk $0xffff, v2  }
0xad: {  	v8 =	vld [tilespmem:s24+$0x8060];
	_ =	sdelay $0x4  }
0xae: {  	v8 =	vsub.f32 v8, v6;
	_ =	sdelay $0x1  }
0xaf: {  	v8 =	vmul.f32 v8, v7;
	_ =	sdelay $0x1  }
0xb0: {  	v8 =	vtrunc.f32 v8  }
0xb1: {  	v8 =	vcvt.f32.s32 v8;
	_ =	sdelay $0x1  }
0xb2: {  	vm14 =	vlt.s32 v8, $0xFF  }
0xb3: {  	v8 =	vnsel vm14, $0xFF, v8  }
0xb4: {  	v8 =	vadd.s32 v4, v8;
	_ =	sdelay $0x4  }
0xb5: {  	[tilespmem:v8+s17+$0x0] =	vst.idx.add.f32.msk $0xffff, v2  }
0xb6: {  	v8 =	vld [tilespmem:s24+$0x8070];
	_ =	sdelay $0x4  }
0xb7: {  	v8 =	vsub.f32 v8, v6;
	_ =	sdelay $0x1  }
0xb8: {  	v8 =	vmul.f32 v8, v7;
	_ =	sdelay $0x1  }
0xb9: {  	v8 =	vtrunc.f32 v8  }
0xba: {  	v8 =	vcvt.f32.s32 v8;
	_ =	sdelay $0x1  }
0xbb: {  	vm15 =	vlt.s32 v8, $0xFF  }
0xbc: {  	v8 =	vnsel vm15, $0xFF, v8  }
0xbd: {  	p1 =	sne.s32 s23, $0x1FE00;
	v8 =	vadd.s32 v5, v8  }
.Ltmp2:
0xbe: {  	_ = 	snop;
	(pc) =	sbr.rel @p1 .LBB2_7-.Ltmp2, $2  }
0xbf: {  	_ =	sdelay $0x2  }
0xc0: {  	s23 =	sadd.s32 $0x200, s23;
	[tilespmem:v8+s17+$0x0] =	vst.idx.add.f32.msk $0xffff, v2  }
.Ltmp3:
0xc1: {  	(pc) =	sbr.rel @p0 .LBB2_10-.Ltmp3, $1  }
0xc2: {  	_ =	sdelay $0x3  }
.Ltmp4:
0xc3: {  	(pc) =	sbr.rel .LBB2_4-.Ltmp4, $4  }
0xc4: {  	s22 =	sadd.s32 s22, s9  }
0xc5: {  	s22 =	sshrl.u32 s22, $0x3  }
0xc6: {  	s21 =	sadd.s32 $0x1, s21;
	s22 =	sadd.s32 s2, s22  }
0xc7: {  	[tilespmem:s15], [sflag:$0x2] =	stream.linear.gather [hbm4b:s22+s3], $0x8000, $0x38;
	[tilespmem:$0x14680] =	vst v63  }
.LBB2_10:
0xc8: {  	s22 =	simm.s32 $0x0  }
0xc9: {  	v6 =	vld [tilespmem:s22+$0x10000]  }
0xca: {  	v7 =	vld [tilespmem:s22+$0x10111];
	_ =	sdelay $0x1  }
0xcb: {  	v8 =	vld [tilespmem:s22+$0x10222];
	_ =	sdelay $0x1  }
0xcc: {  	v9 =	vld [tilespmem:s22+$0x10333]  }
0xcd: {  	v6 =	vadd.f32 v7, v6  }
0xce: {  	v7 =	vld [tilespmem:s22+$0x10444]  }
0xcf: {  	v6 =	vadd.f32 v8, v6  }
0xd0: {  	v8 =	vld [tilespmem:s22+$0x10555]  }
0xd1: {  	v6 =	vadd.f32 v9, v6  }
0xd2: {  	v9 =	vld [tilespmem:s22+$0x10666]  }
0xd3: {  	v6 =	vadd.f32 v7, v6  }
0xd4: {  	v7 =	vld [tilespmem:s22+$0x10777]  }
0xd5: {  	v6 =	vadd.f32 v8, v6  }
0xd6: {  	v8 =	vld [tilespmem:s22+$0x10888]  }
0xd7: {  	v6 =	vadd.f32 v9, v6  }
0xd8: {  	v9 =	vld [tilespmem:s22+$0x10999]  }
0xd9: {  	v6 =	vadd.f32 v7, v6  }
0xda: {  	v7 =	vld [tilespmem:s22+$0x10AAA]  }
0xdb: {  	v6 =	vadd.f32 v8, v6  }
0xdc: {  	v8 =	vld [tilespmem:s22+$0x10BBB]  }
0xdd: {  	v6 =	vadd.f32 v9, v6  }
0xde: {  	v9 =	vld [tilespmem:s22+$0x10CCC]  }
0xdf: {  	v6 =	vadd.f32 v7, v6  }
0xe0: {  	v7 =	vld [tilespmem:s22+$0x10DDD]  }
0xe1: {  	v6 =	vadd.f32 v8, v6  }
0xe2: {  	v8 =	vld [tilespmem:s22+$0x10EEE]  }
0xe3: {  	v6 =	vadd.f32 v9, v6  }
0xe4: {  	v9 =	vld [tilespmem:s22+$0x10FFF]  }
0xe5: {  	v6 =	vadd.f32 v7, v6  }
0xe6: {  	v7 =	vld [tilespmem:s22+$0x11110]  }
0xe7: {  	v6 =	vadd.f32 v8, v6  }
0xe8: {  	v8 =	vld [tilespmem:s22+$0x11221]  }
0xe9: {  	v6 =	vadd.f32 v9, v6  }
0xea: {  	v9 =	vld [tilespmem:s22+$0x11332]  }
0xeb: {  	v6 =	vadd.f32 v7, v6  }
0xec: {  	v7 =	vld [tilespmem:s22+$0x11443]  }
0xed: {  	v6 =	vadd.f32 v8, v6  }
0xee: {  	v8 =	vld [tilespmem:s22+$0x11554]  }
0xef: {  	v6 =	vadd.f32 v9, v6  }
0xf0: {  	v9 =	vld [tilespmem:s22+$0x11665]  }
0xf1: {  	v6 =	vadd.f32 v7, v6  }
0xf2: {  	v7 =	vld [tilespmem:s22+$0x11776]  }
0xf3: {  	v6 =	vadd.f32 v8, v6  }
0xf4: {  	v8 =	vld [tilespmem:s22+$0x11887]  }
0xf5: {  	v6 =	vadd.f32 v9, v6  }
0xf6: {  	v9 =	vld [tilespmem:s22+$0x11998]  }
0xf7: {  	v6 =	vadd.f32 v7, v6  }
0xf8: {  	v7 =	vld [tilespmem:s22+$0x11AA9]  }
0xf9: {  	v6 =	vadd.f32 v8, v6  }
0xfa: {  	v8 =	vld [tilespmem:s22+$0x11BBA]  }
0xfb: {  	v6 =	vadd.f32 v9, v6  }
0xfc: {  	v9 =	vld [tilespmem:s22+$0x11CCB]  }
0xfd: {  	v6 =	vadd.f32 v7, v6  }
0xfe: {  	v7 =	vld [tilespmem:s22+$0x11DDC]  }
0xff: {  	v6 =	vadd.f32 v8, v6  }
0x100: {  	v8 =	vld [tilespmem:s22+$0x11EED]  }
0x101: {  	v6 =	vadd.f32 v9, v6  }
0x102: {  	v9 =	vld [tilespmem:s22+$0x11FFE]  }
0x103: {  	v6 =	vadd.f32 v7, v6  }
0x104: {  	v7 =	vld [tilespmem:s22+$0x1210F]  }
0x105: {  	s21 =	simm.s32 $0x10;
	v10 =	vld [tilespmem:s22+$0x12220];
	v6 =	vadd.f32 v8, v6  }
0x106: {  	v11 =	vld [tilespmem:s21+$0x10000]  }
0x107: {  	v8 =	vld [tilespmem:s22+$0x12331];
	v6 =	vadd.f32 v9, v6  }
0x108: {  	v9 =	vld [tilespmem:s21+$0x10111]  }
0x109: {  	v12 =	vld [tilespmem:s21+$0x10222];
	v6 =	vadd.f32 v7, v6  }
0x10a: {  	v7 =	vld [tilespmem:s22+$0x12442]  }
0x10b: {  	v13 =	vld [tilespmem:s21+$0x10333];
	v6 =	vadd.f32 v10, v6  }
0x10c: {  	v10 =	vld [tilespmem:s22+$0x12553]  }
0x10d: {  	v9 =	vadd.f32 v9, v11;
	v11 =	vld [tilespmem:s21+$0x10444];
	v6 =	vadd.f32 v8, v6  }
0x10e: {  	v8 =	vld [tilespmem:s22+$0x12664]  }
0x10f: {  	v9 =	vadd.f32 v12, v9;
	v12 =	vld [tilespmem:s21+$0x10555];
	v6 =	vadd.f32 v7, v6  }
0x110: {  	v7 =	vld [tilespmem:s22+$0x12775]  }
0x111: {  	v9 =	vadd.f32 v13, v9;
	v13 =	vld [tilespmem:s21+$0x10666];
	v6 =	vadd.f32 v10, v6  }
0x112: {  	v10 =	vld [tilespmem:s22+$0x12886]  }
0x113: {  	v9 =	vadd.f32 v11, v9;
	v11 =	vld [tilespmem:s21+$0x10777];
	v6 =	vadd.f32 v8, v6  }
0x114: {  	v8 =	vld [tilespmem:s22+$0x12997]  }
0x115: {  	v9 =	vadd.f32 v12, v9;
	v12 =	vld [tilespmem:s21+$0x10888];
	v6 =	vadd.f32 v7, v6  }
0x116: {  	v7 =	vld [tilespmem:s22+$0x12AA8]  }
0x117: {  	v9 =	vadd.f32 v13, v9;
	v13 =	vld [tilespmem:s21+$0x10999];
	v6 =	vadd.f32 v10, v6  }
0x118: {  	v10 =	vld [tilespmem:s22+$0x12BB9]  }
0x119: {  	v9 =	vadd.f32 v11, v9;
	v11 =	vld [tilespmem:s21+$0x10AAA];
	v6 =	vadd.f32 v8, v6  }
0x11a: {  	v8 =	vld [tilespmem:s22+$0x12CCA]  }
0x11b: {  	v9 =	vadd.f32 v12, v9;
	v12 =	vld [tilespmem:s21+$0x10BBB];
	v6 =	vadd.f32 v7, v6  }
0x11c: {  	v7 =	vld [tilespmem:s22+$0x12DDB]  }
0x11d: {  	v9 =	vadd.f32 v13, v9;
	v13 =	vld [tilespmem:s21+$0x10CCC];
	v6 =	vadd.f32 v10, v6  }
0x11e: {  	v10 =	vld [tilespmem:s22+$0x12EEC]  }
0x11f: {  	v9 =	vadd.f32 v11, v9;
	v11 =	vld [tilespmem:s21+$0x10DDD];
	v6 =	vadd.f32 v8, v6  }
0x120: {  	v8 =	vld [tilespmem:s22+$0x12FFD]  }
0x121: {  	v9 =	vadd.f32 v12, v9;
	v12 =	vld [tilespmem:s21+$0x10EEE];
	v6 =	vadd.f32 v7, v6  }
0x122: {  	v7 =	vld [tilespmem:s22+$0x1310E]  }
0x123: {  	v9 =	vadd.f32 v13, v9;
	v13 =	vld [tilespmem:s21+$0x10FFF];
	v6 =	vadd.f32 v10, v6  }
0x124: {  	v10 =	vld [tilespmem:s22+$0x1321F]  }
0x125: {  	v9 =	vadd.f32 v11, v9;
	v11 =	vld [tilespmem:s21+$0x11110];
	v6 =	vadd.f32 v8, v6  }
0x126: {  	v8 =	vld [tilespmem:s22+$0x13330]  }
0x127: {  	v9 =	vadd.f32 v12, v9;
	v12 =	vld [tilespmem:s21+$0x11221];
	v6 =	vadd.f32 v7, v6  }
0x128: {  	v7 =	vld [tilespmem:s22+$0x13441]  }
0x129: {  	v9 =	vadd.f32 v13, v9;
	v13 =	vld [tilespmem:s21+$0x11332];
	v6 =	vadd.f32 v10, v6  }
0x12a: {  	v10 =	vld [tilespmem:s22+$0x13552]  }
0x12b: {  	v9 =	vadd.f32 v11, v9;
	v11 =	vld [tilespmem:s21+$0x11443];
	v6 =	vadd.f32 v8, v6  }
0x12c: {  	v8 =	vld [tilespmem:s22+$0x13663]  }
0x12d: {  	v9 =	vadd.f32 v12, v9;
	v12 =	vld [tilespmem:s21+$0x11554];
	v6 =	vadd.f32 v7, v6  }
0x12e: {  	v7 =	vld [tilespmem:s22+$0x13774]  }
0x12f: {  	v9 =	vadd.f32 v13, v9;
	v13 =	vld [tilespmem:s21+$0x11665];
	v6 =	vadd.f32 v10, v6  }
0x130: {  	v10 =	vld [tilespmem:s22+$0x13885]  }
0x131: {  	v9 =	vadd.f32 v11, v9;
	v11 =	vld [tilespmem:s21+$0x11776];
	v6 =	vadd.f32 v8, v6  }
0x132: {  	v8 =	vld [tilespmem:s22+$0x13996]  }
0x133: {  	v9 =	vadd.f32 v12, v9;
	v12 =	vld [tilespmem:s21+$0x11887];
	v6 =	vadd.f32 v7, v6  }
0x134: {  	v7 =	vld [tilespmem:s22+$0x13AA7]  }
0x135: {  	v9 =	vadd.f32 v13, v9;
	v13 =	vld [tilespmem:s21+$0x11998];
	v6 =	vadd.f32 v10, v6  }
0x136: {  	v10 =	vld [tilespmem:s22+$0x13BB8]  }
0x137: {  	v9 =	vadd.f32 v11, v9;
	v11 =	vld [tilespmem:s21+$0x11AA9];
	v6 =	vadd.f32 v8, v6  }
0x138: {  	v8 =	vld [tilespmem:s22+$0x13CC9]  }
0x139: {  	v9 =	vadd.f32 v12, v9;
	v12 =	vld [tilespmem:s21+$0x11BBA];
	v6 =	vadd.f32 v7, v6  }
0x13a: {  	v7 =	vld [tilespmem:s22+$0x13DDA]  }
0x13b: {  	v9 =	vadd.f32 v13, v9;
	v13 =	vld [tilespmem:s21+$0x11CCB];
	v6 =	vadd.f32 v10, v6  }
0x13c: {  	v10 =	vld [tilespmem:s22+$0x13EEB]  }
0x13d: {  	v9 =	vadd.f32 v11, v9;
	v11 =	vld [tilespmem:s21+$0x11DDC];
	v6 =	vadd.f32 v8, v6  }
0x13e: {  	v8 =	vld [tilespmem:s22+$0x13FFC]  }
0x13f: {  	v9 =	vadd.f32 v12, v9;
	v12 =	vld [tilespmem:s21+$0x11EED];
	v6 =	vadd.f32 v7, v6  }
0x140: {  	v7 =	vld [tilespmem:s22+$0x1410D]  }
0x141: {  	v14 =	vld [tilespmem:s21+$0x11FFE];
	v9 =	vadd.f32 v13, v9;
	v6 =	vadd.f32 v10, v6  }
0x142: {  	v13 =	vld [tilespmem:s22+$0x1421E]  }
0x143: {  	v10 =	vadd.f32 v11, v9;
	v9 =	vld [tilespmem:s21+$0x1210F];
	v11 =	vadd.f32 v8, v6  }
0x144: {  	v8 =	vld [tilespmem:s22+$0x1432F]  }
0x145: {  	v6 =	vld [tilespmem:s21+$0x12331];
	v12 =	vadd.f32 v12, v10;
	v15 =	vadd.f32 v7, v11  }
0x146: {  	s23 =	simm.s32 $0x20;
	v10 =	vld [tilespmem:s21+$0x12220]  }
0x147: {  	s24 =	simm.s32 $0xC0;
	v7 =	vld [tilespmem:s23+$0x10000];
	v11 =	vadd.f32 v14, v12;
	v12 =	vadd.f32 v13, v15  }
.LBB2_11:
0x148: {  	p0 =	sne.s32 s24, $0x3C0;
	v13 =	vld [tilespmem:s23+$0x10111]  }
0x149: {  	v9 =	vadd.f32 v9, v11;
	v11 =	vld [tilespmem:s21+$0x12442];
	v8 =	vadd.f32 v8, v12  }
0x14a: {  	v12 =	vld [tilespmem:s23+$0x10222]  }
0x14b: {  	v9 =	vadd.f32 v10, v9;
	v10 =	vld [tilespmem:s21+$0x12553];
	[tilespmem:s22+$0x14480] =	vst v8;
	s22 =	smov.u32 s21;
	s21 =	smov.u32 s23  }
0x14c: {  	v8 =	vld [tilespmem:s21+$0x10333]  }
0x14d: {  	v7 =	vadd.f32 v13, v7;
	v6 =	vadd.f32 v6, v9;
	v9 =	vld [tilespmem:s22+$0x12664]  }
0x14e: {  	v13 =	vld [tilespmem:s21+$0x10444]  }
0x14f: {  	v7 =	vadd.f32 v12, v7;
	v6 =	vadd.f32 v11, v6;
	v11 =	vld [tilespmem:s22+$0x12775]  }
0x150: {  	v12 =	vld [tilespmem:s21+$0x10555]  }
0x151: {  	v7 =	vadd.f32 v8, v7;
	v6 =	vadd.f32 v10, v6;
	v8 =	vld [tilespmem:s22+$0x12886]  }
0x152: {  	v10 =	vld [tilespmem:s21+$0x10666]  }
0x153: {  	v7 =	vadd.f32 v13, v7;
	v6 =	vadd.f32 v9, v6;
	v9 =	vld [tilespmem:s22+$0x12997]  }
0x154: {  	v13 =	vld [tilespmem:s21+$0x10777]  }
0x155: {  	v7 =	vadd.f32 v12, v7;
	v6 =	vadd.f32 v11, v6;
	v11 =	vld [tilespmem:s22+$0x12AA8]  }
0x156: {  	v12 =	vld [tilespmem:s21+$0x10888]  }
0x157: {  	v7 =	vadd.f32 v10, v7;
	v6 =	vadd.f32 v8, v6;
	v8 =	vld [tilespmem:s22+$0x12BB9]  }
0x158: {  	v10 =	vld [tilespmem:s21+$0x10999]  }
0x159: {  	v7 =	vadd.f32 v13, v7;
	v6 =	vadd.f32 v9, v6;
	v9 =	vld [tilespmem:s22+$0x12CCA]  }
0x15a: {  	v13 =	vld [tilespmem:s21+$0x10AAA]  }
0x15b: {  	v7 =	vadd.f32 v12, v7;
	v6 =	vadd.f32 v11, v6;
	v11 =	vld [tilespmem:s22+$0x12DDB]  }
0x15c: {  	v12 =	vld [tilespmem:s21+$0x10BBB]  }
0x15d: {  	v7 =	vadd.f32 v10, v7;
	v6 =	vadd.f32 v8, v6;
	v8 =	vld [tilespmem:s22+$0x12EEC]  }
0x15e: {  	v10 =	vld [tilespmem:s21+$0x10CCC]  }
0x15f: {  	v7 =	vadd.f32 v13, v7;
	v6 =	vadd.f32 v9, v6;
	v9 =	vld [tilespmem:s22+$0x12FFD]  }
0x160: {  	v13 =	vld [tilespmem:s21+$0x10DDD]  }
0x161: {  	v7 =	vadd.f32 v12, v7;
	v6 =	vadd.f32 v11, v6;
	v11 =	vld [tilespmem:s22+$0x1310E]  }
0x162: {  	v12 =	vld [tilespmem:s21+$0x10EEE]  }
0x163: {  	v7 =	vadd.f32 v10, v7;
	v6 =	vadd.f32 v8, v6;
	v8 =	vld [tilespmem:s22+$0x1321F]  }
0x164: {  	v10 =	vld [tilespmem:s21+$0x10FFF]  }
0x165: {  	v7 =	vadd.f32 v13, v7;
	v6 =	vadd.f32 v9, v6;
	v9 =	vld [tilespmem:s22+$0x13330]  }
0x166: {  	v13 =	vld [tilespmem:s21+$0x11110]  }
0x167: {  	v7 =	vadd.f32 v12, v7;
	v6 =	vadd.f32 v11, v6;
	v11 =	vld [tilespmem:s22+$0x13441]  }
0x168: {  	v12 =	vld [tilespmem:s21+$0x11221]  }
0x169: {  	v7 =	vadd.f32 v10, v7;
	v6 =	vadd.f32 v8, v6;
	v8 =	vld [tilespmem:s22+$0x13552]  }
0x16a: {  	v10 =	vld [tilespmem:s21+$0x11332]  }
0x16b: {  	v7 =	vadd.f32 v13, v7;
	v6 =	vadd.f32 v9, v6;
	v9 =	vld [tilespmem:s22+$0x13663]  }
0x16c: {  	v13 =	vld [tilespmem:s21+$0x11443]  }
0x16d: {  	v7 =	vadd.f32 v12, v7;
	v6 =	vadd.f32 v11, v6;
	v11 =	vld [tilespmem:s22+$0x13774]  }
0x16e: {  	v12 =	vld [tilespmem:s21+$0x11554]  }
0x16f: {  	v7 =	vadd.f32 v10, v7;
	v6 =	vadd.f32 v8, v6;
	v8 =	vld [tilespmem:s22+$0x13885]  }
0x170: {  	v10 =	vld [tilespmem:s21+$0x11665]  }
0x171: {  	v7 =	vadd.f32 v13, v7;
	v6 =	vadd.f32 v9, v6;
	v9 =	vld [tilespmem:s22+$0x13996]  }
0x172: {  	v13 =	vld [tilespmem:s21+$0x11776]  }
0x173: {  	v7 =	vadd.f32 v12, v7;
	v6 =	vadd.f32 v11, v6;
	v11 =	vld [tilespmem:s22+$0x13AA7]  }
0x174: {  	v12 =	vld [tilespmem:s21+$0x11887]  }
0x175: {  	v7 =	vadd.f32 v10, v7;
	v6 =	vadd.f32 v8, v6;
	v8 =	vld [tilespmem:s22+$0x13BB8]  }
0x176: {  	v10 =	vld [tilespmem:s21+$0x11998]  }
0x177: {  	v7 =	vadd.f32 v13, v7;
	v6 =	vadd.f32 v9, v6;
	v9 =	vld [tilespmem:s22+$0x13CC9]  }
0x178: {  	v13 =	vld [tilespmem:s21+$0x11AA9]  }
0x179: {  	v7 =	vadd.f32 v12, v7;
	v6 =	vadd.f32 v11, v6;
	v11 =	vld [tilespmem:s22+$0x13DDA]  }
0x17a: {  	v12 =	vld [tilespmem:s21+$0x11BBA]  }
0x17b: {  	v7 =	vadd.f32 v10, v7;
	v6 =	vadd.f32 v8, v6;
	v8 =	vld [tilespmem:s22+$0x13EEB]  }
0x17c: {  	v10 =	vld [tilespmem:s21+$0x11CCB]  }
0x17d: {  	v7 =	vadd.f32 v13, v7;
	v6 =	vadd.f32 v9, v6;
	v9 =	vld [tilespmem:s22+$0x13FFC]  }
0x17e: {  	v13 =	vld [tilespmem:s21+$0x11DDC]  }
0x17f: {  	v7 =	vadd.f32 v12, v7;
	v6 =	vadd.f32 v11, v6;
	v11 =	vld [tilespmem:s22+$0x1410D]  }
0x180: {  	v12 =	vld [tilespmem:s21+$0x11EED]  }
0x181: {  	v7 =	vadd.f32 v10, v7;
	v6 =	vadd.f32 v8, v6;
	v14 =	vld [tilespmem:s22+$0x1421E]  }
0x182: {  	v15 =	vld [tilespmem:s21+$0x11FFE]  }
.Ltmp5:
0x183: {  	v7 =	vadd.f32 v13, v7;
	v10 =	vadd.f32 v9, v6;
	v8 =	vld [tilespmem:s22+$0x1432F];
	(pc) =	sbr.rel @p0 .LBB2_11-.Ltmp5, $4  }
0x184: {  	v9 =	vld [tilespmem:s21+$0x1210F]  }
0x185: {  	v12 =	vadd.f32 v12, v7;
	v6 =	vld [tilespmem:s21+$0x12331];
	v13 =	vadd.f32 v11, v10  }
0x186: {  	s23 =	sshra.s32 s24, $0x2;
	v10 =	vld [tilespmem:s21+$0x12220]  }
0x187: {  	s24 =	sadd.s32 $0x40, s24;
	v7 =	vld [tilespmem:s23+$0x10000];
	v11 =	vadd.f32 v15, v12;
	v12 =	vadd.f32 v14, v13  }
0x188: {  	v13 =	vld [tilespmem:s23+$0x10111]  }
0x189: {  	v14 =	vld [tilespmem:s21+$0x12442];
	v8 =	vadd.f32 v8, v12  }
0x18a: {  	v33 =	vld [tilespmem:s23+$0x10222]  }
0x18b: {  	v15 =	vld [tilespmem:s21+$0x12553];
	v9 =	vadd.f32 v9, v11;
	[tilespmem:s22+$0x14480] =	vst v8  }
0x18c: {  	v8 =	vld [tilespmem:s23+$0x10333]  }
0x18d: {  	v9 =	vadd.f32 v10, v9;
	v7 =	vadd.f32 v13, v7  }
0x18e: {  	v34 =	vld [tilespmem:s23+$0x10444]  }
0x18f: {  	v35 =	vld [tilespmem:s21+$0x12664];
	v6 =	vadd.f32 v6, v9;
	v7 =	vadd.f32 v33, v7  }
0x190: {  	v36 =	vld [tilespmem:s23+$0x10555]  }
0x191: {  	v37 =	vld [tilespmem:s21+$0x12775];
	v6 =	vadd.f32 v14, v6;
	v7 =	vadd.f32 v8, v7  }
0x192: {  	v38 =	vld [tilespmem:s23+$0x10666]  }
0x193: {  	v39 =	vld [tilespmem:s21+$0x12886];
	v6 =	vadd.f32 v15, v6;
	v7 =	vadd.f32 v34, v7  }
0x194: {  	v40 =	vld [tilespmem:s23+$0x10777]  }
0x195: {  	v41 =	vld [tilespmem:s21+$0x12997];
	v6 =	vadd.f32 v35, v6;
	v7 =	vadd.f32 v36, v7  }
0x196: {  	v42 =	vld [tilespmem:s23+$0x10888]  }
0x197: {  	v43 =	vld [tilespmem:s21+$0x12AA8];
	v6 =	vadd.f32 v37, v6;
	v7 =	vadd.f32 v38, v7  }
0x198: {  	v44 =	vld [tilespmem:s23+$0x10999]  }
0x199: {  	v45 =	vld [tilespmem:s21+$0x12BB9];
	v6 =	vadd.f32 v39, v6;
	v7 =	vadd.f32 v40, v7  }
0x19a: {  	v46 =	vld [tilespmem:s23+$0x10AAA]  }
0x19b: {  	v47 =	vld [tilespmem:s21+$0x12CCA];
	v6 =	vadd.f32 v41, v6;
	v7 =	vadd.f32 v42, v7  }
0x19c: {  	v48 =	vld [tilespmem:s23+$0x10BBB]  }
0x19d: {  	v49 =	vld [tilespmem:s21+$0x12DDB];
	v6 =	vadd.f32 v43, v6;
	v7 =	vadd.f32 v44, v7  }
0x19e: {  	v50 =	vld [tilespmem:s23+$0x10CCC]  }
0x19f: {  	v51 =	vld [tilespmem:s21+$0x12EEC];
	v6 =	vadd.f32 v45, v6;
	v7 =	vadd.f32 v46, v7  }
0x1a0: {  	v52 =	vld [tilespmem:s23+$0x10DDD]  }
0x1a1: {  	v53 =	vld [tilespmem:s21+$0x12FFD];
	v6 =	vadd.f32 v47, v6;
	v7 =	vadd.f32 v48, v7  }
0x1a2: {  	v54 =	vld [tilespmem:s23+$0x10EEE]  }
0x1a3: {  	v55 =	vld [tilespmem:s21+$0x1310E];
	v6 =	vadd.f32 v49, v6;
	v7 =	vadd.f32 v50, v7  }
0x1a4: {  	v56 =	vld [tilespmem:s23+$0x10FFF]  }
0x1a5: {  	v57 =	vld [tilespmem:s21+$0x1321F];
	v6 =	vadd.f32 v51, v6;
	v7 =	vadd.f32 v52, v7  }
0x1a6: {  	v58 =	vld [tilespmem:s23+$0x11110]  }
0x1a7: {  	v59 =	vld [tilespmem:s21+$0x13330];
	v6 =	vadd.f32 v53, v6;
	v7 =	vadd.f32 v54, v7  }
0x1a8: {  	v60 =	vld [tilespmem:s23+$0x11221]  }
0x1a9: {  	v61 =	vld [tilespmem:s21+$0x13441];
	v6 =	vadd.f32 v55, v6;
	v7 =	vadd.f32 v56, v7  }
0x1aa: {  	v62 =	vld [tilespmem:s23+$0x11332]  }
0x1ab: {  	v63 =	vld [tilespmem:s21+$0x13552];
	v6 =	vadd.f32 v57, v6;
	v7 =	vadd.f32 v58, v7  }
0x1ac: {  	v16 =	vld [tilespmem:s23+$0x11443]  }
0x1ad: {  	v17 =	vld [tilespmem:s21+$0x13663];
	v6 =	vadd.f32 v59, v6;
	v7 =	vadd.f32 v60, v7  }
0x1ae: {  	v18 =	vld [tilespmem:s23+$0x11554]  }
0x1af: {  	v19 =	vld [tilespmem:s21+$0x13774];
	v6 =	vadd.f32 v61, v6;
	v7 =	vadd.f32 v62, v7  }
0x1b0: {  	v20 =	vld [tilespmem:s23+$0x11665]  }
0x1b1: {  	v21 =	vld [tilespmem:s21+$0x13885];
	v6 =	vadd.f32 v63, v6;
	v7 =	vadd.f32 v16, v7  }
0x1b2: {  	v22 =	vld [tilespmem:s23+$0x11776]  }
0x1b3: {  	v23 =	vld [tilespmem:s21+$0x13996];
	v6 =	vadd.f32 v17, v6;
	v7 =	vadd.f32 v18, v7  }
0x1b4: {  	v24 =	vld [tilespmem:s23+$0x11887]  }
0x1b5: {  	v25 =	vld [tilespmem:s21+$0x13AA7];
	v6 =	vadd.f32 v19, v6;
	v7 =	vadd.f32 v20, v7  }
0x1b6: {  	v26 =	vld [tilespmem:s23+$0x11998]  }
0x1b7: {  	v27 =	vld [tilespmem:s21+$0x13BB8];
	v6 =	vadd.f32 v21, v6;
	v7 =	vadd.f32 v22, v7  }
0x1b8: {  	v28 =	vld [tilespmem:s23+$0x11AA9]  }
0x1b9: {  	v29 =	vld [tilespmem:s21+$0x13CC9];
	v6 =	vadd.f32 v23, v6;
	v7 =	vadd.f32 v24, v7  }
0x1ba: {  	v30 =	vld [tilespmem:s23+$0x11BBA]  }
0x1bb: {  	v31 =	vld [tilespmem:s21+$0x13DDA];
	v6 =	vadd.f32 v25, v6;
	v7 =	vadd.f32 v26, v7  }
0x1bc: {  	v32 =	vld [tilespmem:s23+$0x11CCB]  }
0x1bd: {  	v33 =	vld [tilespmem:s21+$0x13EEB];
	v6 =	vadd.f32 v27, v6;
	v7 =	vadd.f32 v28, v7  }
0x1be: {  	v34 =	vld [tilespmem:s23+$0x11DDC]  }
0x1bf: {  	v35 =	vld [tilespmem:s21+$0x13FFC];
	v6 =	vadd.f32 v29, v6;
	v7 =	vadd.f32 v30, v7  }
0x1c0: {  	v36 =	vld [tilespmem:s23+$0x11EED]  }
0x1c1: {  	v37 =	vld [tilespmem:s21+$0x1410D];
	v6 =	vadd.f32 v31, v6;
	v7 =	vadd.f32 v32, v7  }
0x1c2: {  	v38 =	vld [tilespmem:s23+$0x11FFE]  }
0x1c3: {  	v39 =	vld [tilespmem:s21+$0x1421E];
	v6 =	vadd.f32 v33, v6;
	v7 =	vadd.f32 v34, v7  }
0x1c4: {  	v40 =	vld [tilespmem:s23+$0x1210F]  }
0x1c5: {  	v41 =	vld [tilespmem:s21+$0x1432F];
	v6 =	vadd.f32 v35, v6;
	v7 =	vadd.f32 v36, v7  }
0x1c6: {  	v42 =	vld [tilespmem:s23+$0x12220]  }
0x1c7: {  	v6 =	vadd.f32 v37, v6;
	v7 =	vadd.f32 v38, v7  }
0x1c8: {  	v43 =	vld [tilespmem:s23+$0x12331]  }
0x1c9: {  	v6 =	vadd.f32 v39, v6;
	v7 =	vadd.f32 v40, v7  }
0x1ca: {  	v44 =	vld [tilespmem:s23+$0x12442]  }
0x1cb: {  	v6 =	vadd.f32 v41, v6;
	v7 =	vadd.f32 v42, v7  }
0x1cc: {  	v45 =	vld [tilespmem:s23+$0x12553]  }
0x1cd: {  	[tilespmem:s21+$0x14480] =	vst v6;
	v6 =	vadd.f32 v43, v7  }
0x1ce: {  	v7 =	vld [tilespmem:s23+$0x12664]  }
0x1cf: {  	v6 =	vadd.f32 v44, v6  }
0x1d0: {  	v46 =	vld [tilespmem:s23+$0x12775]  }
0x1d1: {  	v6 =	vadd.f32 v45, v6  }
0x1d2: {  	v47 =	vld [tilespmem:s23+$0x12886]  }
0x1d3: {  	v6 =	vadd.f32 v7, v6  }
0x1d4: {  	v7 =	vld [tilespmem:s23+$0x12997]  }
0x1d5: {  	v6 =	vadd.f32 v46, v6  }
0x1d6: {  	v48 =	vld [tilespmem:s23+$0x12AA8]  }
0x1d7: {  	v6 =	vadd.f32 v47, v6  }
0x1d8: {  	v49 =	vld [tilespmem:s23+$0x12BB9]  }
0x1d9: {  	v6 =	vadd.f32 v7, v6  }
0x1da: {  	v7 =	vld [tilespmem:s23+$0x12CCA]  }
0x1db: {  	v6 =	vadd.f32 v48, v6  }
0x1dc: {  	v50 =	vld [tilespmem:s23+$0x12DDB]  }
0x1dd: {  	v6 =	vadd.f32 v49, v6  }
0x1de: {  	v51 =	vld [tilespmem:s23+$0x12EEC]  }
0x1df: {  	v6 =	vadd.f32 v7, v6  }
0x1e0: {  	v7 =	vld [tilespmem:s23+$0x12FFD]  }
0x1e1: {  	v6 =	vadd.f32 v50, v6  }
0x1e2: {  	v52 =	vld [tilespmem:s23+$0x1310E]  }
0x1e3: {  	v6 =	vadd.f32 v51, v6  }
0x1e4: {  	v53 =	vld [tilespmem:s23+$0x1321F]  }
0x1e5: {  	v6 =	vadd.f32 v7, v6  }
0x1e6: {  	v7 =	vld [tilespmem:s23+$0x13330]  }
0x1e7: {  	v6 =	vadd.f32 v52, v6  }
0x1e8: {  	v54 =	vld [tilespmem:s23+$0x13441]  }
0x1e9: {  	v6 =	vadd.f32 v53, v6  }
0x1ea: {  	v55 =	vld [tilespmem:s23+$0x13552]  }
0x1eb: {  	v6 =	vadd.f32 v7, v6  }
0x1ec: {  	v7 =	vld [tilespmem:s23+$0x13663]  }
0x1ed: {  	v6 =	vadd.f32 v54, v6  }
0x1ee: {  	v56 =	vld [tilespmem:s23+$0x13774]  }
0x1ef: {  	v6 =	vadd.f32 v55, v6  }
0x1f0: {  	v57 =	vld [tilespmem:s23+$0x13885]  }
0x1f1: {  	v6 =	vadd.f32 v7, v6  }
0x1f2: {  	v7 =	vld [tilespmem:s23+$0x13996]  }
0x1f3: {  	v6 =	vadd.f32 v56, v6  }
0x1f4: {  	v58 =	vld [tilespmem:s23+$0x13AA7]  }
0x1f5: {  	v6 =	vadd.f32 v57, v6  }
0x1f6: {  	v59 =	vld [tilespmem:s23+$0x13BB8]  }
0x1f7: {  	v6 =	vadd.f32 v7, v6  }
0x1f8: {  	v7 =	vld [tilespmem:s23+$0x13CC9]  }
0x1f9: {  	v6 =	vadd.f32 v58, v6  }
0x1fa: {  	v60 =	vld [tilespmem:s23+$0x13DDA]  }
0x1fb: {  	v6 =	vadd.f32 v59, v6  }
0x1fc: {  	v61 =	vld [tilespmem:s23+$0x13EEB]  }
0x1fd: {  	v6 =	vadd.f32 v7, v6  }
0x1fe: {  	v7 =	vld [tilespmem:s23+$0x13FFC]  }
0x1ff: {  	v6 =	vadd.f32 v60, v6  }
0x200: {  	v62 =	vld [tilespmem:s23+$0x1410D]  }
0x201: {  	v6 =	vadd.f32 v61, v6  }
0x202: {  	v63 =	vld [tilespmem:s23+$0x1421E]  }
0x203: {  	v6 =	vadd.f32 v7, v6  }
0x204: {  	v7 =	vld [tilespmem:s23+$0x1432F]  }
0x205: {  	v6 =	vadd.f32 v62, v6;
	_ =	sdelay $0x1  }
0x206: {  	v6 =	vadd.f32 v63, v6;
	_ =	sdelay $0x1  }
0x207: {  	s20 =	sadd.s32 $0x1, s20;
	v6 =	vadd.f32 v7, v6  }
0x208: {  	p0 =	sne.s32 s20, s11  }
.Ltmp6:
0x209: {  	[tilespmem:s23+$0x14480] =	vst v6;
	(pc) =	sbr.rel @p0 .LBB2_1-.Ltmp6, $4  }
0x20a: {  	[hbm4b:s10+s3] =	stream.linear.scatter [tilespmem:s19], [sflag:$0x3], $0x100, $0x38;
	[tilespmem:$0x14680] =	vst v63  }
0x20b: {  	_ =	swait.ge [sflag:s13], $0x100  }
0x20c: {  	[sflag:s13] =	ssyncset.done $0x0  }
0x20d: {  	[sflag:s13] =	ssyncadd.s32 $0xFFFFFF00  }
0x20e: {  	_ =	sfence.sel $0x180000  }
0x20f: {  	[bflag:$0x0] =	sbarrier.arrive $0xFFFF  }
0x210: {  	p0 =	sne.s32 s0, $0x0;
	_ =	strace $0x90000047  }
0x211: {  	s0 =	sadd.s32 @!p0 $0x100000, s1;
	[bflag:$0x2] =	sbarrier.arrive $0xFFFF  }
0x212: {  	[sflag:s0] =	ssyncadd.tile.s32 @!p0 $0x1;
	_ =	shalt  }
.Lfunc_end2:
_tile_overlayer_lowered:
.L_overlay_start_2:
0x213: {  	(tag) =	ssettag $0x2  }
0x214: {  	s0 =	rddreg [dreg:$0x0];
	s2 =	stileid.u32  }
0x215: {  	s1 =	rddreg [dreg:$0x1];
	p0 =	sne.s32 s2, $0x0  }
0x216: {  	s3 =	rddreg [dreg:$0x2];
	[bflag:$0x3] =	sbarrier.arrive $0xFFFF;
	s2 =	simm.s32 @!p0 $0x1C03  }
0x217: {  	[timem:s3], [sflag:s2] =	dma.local @!p0 [hbm:s0], s1  }
0x218: {  	s0 =	simm.s32 @!p0 $0x3  }
0x219: {  	_ =	swait.ge @!p0 [sflag:s0], s1  }
0x21a: {  	s1 =	ssub.s32 @!p0 $0x0, s1;
	[sflag:s0] =	ssyncset.done @!p0 $0x0  }
0x21b: {  	[sflag:s0] =	ssyncadd.s32 @!p0 s1  }
0x21c: {  	[bflag:$0x3] =	sbarrier.arrive $0xFFFF  }
0x21d: {  	_ =	shalt  }

</sc_bundles>
